<compile_context>
chip_gen: v7x
topology: tpu7x:2x2x1
jax: 0.10.2.dev20260603
libtpu: 0.0.44.dev20260713+nightly
codegen_flags: <defaults>
</compile_context>

<pallas_src>
import functools

import jax
import jax.numpy as jnp
from jax import lax
from jax.experimental import pallas as pl
from jax.experimental.pallas import tpu as pltpu
from jax.experimental.pallas import tpu_sc as plsc

NC, NS, LANES = 2, 16, 16
CH = 128


def _sc_mesh():
    return plsc.VectorSubcoreMesh(
        core_axis_name="c", subcore_axis_name="s", num_cores=NC, num_subcores=NS
    )


def _sc_degree(dst2d, npad):
    tot_ch = dst2d.shape[0]
    cpt = tot_ch // (NC * NS)
    rpt = npad // NS

    @functools.partial(
        pl.kernel,
        out_type=jax.ShapeDtypeStruct((NC, npad), jnp.float32),
        mesh=_sc_mesh(),
        scratch_types=[
            pltpu.VMEM((cpt, CH), jnp.int32),
            pltpu.VMEM((rpt,), jnp.float32),
            pltpu.VMEM((CH,), jnp.float32),
            pltpu.VMEM_SHARED((npad,), jnp.float32),
            pltpu.SemaphoreType.DMA,
        ],
    )
    def k(dst_hbm, out_hbm, idx_v, zero_v, ones_v, acc, sem):
        cid = lax.axis_index("c")
        sid = lax.axis_index("s")
        wid = cid * NS + sid
        for i in range(CH // LANES):
            ones_v[pl.ds(i * LANES, LANES)] = jnp.ones((LANES,), jnp.float32)
        for i in range(rpt // LANES):
            zero_v[pl.ds(i * LANES, LANES)] = jnp.zeros((LANES,), jnp.float32)
        pltpu.sync_copy(zero_v, acc.at[pl.ds(sid * rpt, rpt)])
        plsc.subcore_barrier()
        pltpu.sync_copy(dst_hbm.at[pl.ds(wid * cpt, cpt)], idx_v)

        @pl.loop(0, cpt)
        def _(j):
            pltpu.sync_copy(ones_v, acc.at[idx_v.at[j]], add=True)

        plsc.subcore_barrier()
        pltpu.sync_copy(
            acc.at[pl.ds(sid * rpt, rpt)], out_hbm.at[cid, pl.ds(sid * rpt, rpt)]
        )

    return k(dst2d)


def _sc_aggregate(ytab, src3, dst3, npad):
    sc_ch = src3.shape[1]
    cpt = sc_ch // NS
    rpt = npad // NS
    fh = ytab.shape[1]
    ib = 16
    nb = cpt // ib

    @functools.partial(
        pl.kernel,
        out_type=jax.ShapeDtypeStruct((NC, npad, fh), jnp.float32),
        mesh=_sc_mesh(),
        scratch_types=[
            pltpu.VMEM((ib, CH), jnp.int32),
            pltpu.VMEM((ib, CH), jnp.int32),
            pltpu.VMEM((CH, fh), jnp.float32),
            pltpu.VMEM_SHARED((npad, fh), jnp.float32),
            pltpu.SemaphoreType.DMA,
        ],
    )
    def k(ytab_hbm, src_hbm, dst_hbm, out_hbm, sidx, didx, rows, acc, sem):
        cid = lax.axis_index("c")
        sid = lax.axis_index("s")
        pltpu.sync_copy(
            ytab_hbm.at[pl.ds(cid * npad + sid * rpt, rpt)],
            acc.at[pl.ds(sid * rpt, rpt)],
        )
        plsc.subcore_barrier()

        @pl.loop(0, nb)
        def _(b):
            base = sid * cpt + b * ib
            pltpu.sync_copy(src_hbm.at[cid, pl.ds(base, ib)], sidx)
            pltpu.sync_copy(dst_hbm.at[cid, pl.ds(base, ib)], didx)

            @pl.loop(0, ib)
            def _(j):
                pltpu.async_copy(ytab_hbm.at[sidx.at[j]], rows, sem).wait()
                pltpu.sync_copy(rows, acc.at[didx.at[j]], add=True)

        plsc.subcore_barrier()
        pltpu.sync_copy(
            acc.at[pl.ds(sid * rpt, rpt)], out_hbm.at[cid, pl.ds(sid * rpt, rpt)]
        )

    return k(ytab, src3, dst3)


def _tc_prep(x, degs):
    npad, d = x.shape
    r = npad // 5

    def body(x_ref, d_ref, y_ref, dinv_ref):
        deg = d_ref[0] + d_ref[1] + 1.0
        dinv = lax.rsqrt(deg)
        y = x_ref[...] * dinv
        y_ref[0] = y
        y_ref[1] = jnp.zeros_like(y)
        dinv_ref[...] = dinv

    return pl.pallas_call(
        body,
        grid=(npad // r,),
        in_specs=[
            pl.BlockSpec((r, d), lambda i: (i, 0)),
            pl.BlockSpec((NC, r, 1), lambda i: (0, i, 0)),
        ],
        out_specs=[
            pl.BlockSpec((NC, r, d), lambda i: (0, i, 0)),
            pl.BlockSpec((r, 1), lambda i: (i, 0)),
        ],
        out_shape=[
            jax.ShapeDtypeStruct((NC, npad, d), jnp.float32),
            jax.ShapeDtypeStruct((npad, 1), jnp.float32),
        ],
    )(x, degs)


def _tc_hidden(s0, dinv, W1, b1):
    _, npad, d = s0.shape
    dh = W1.shape[1]
    r = npad // 5

    def body(s_ref, dinv_ref, w_ref, b_ref, y_ref):
        ax = (s_ref[0] + s_ref[1]) * dinv_ref[...]
        h = jnp.dot(ax, w_ref[...], preferred_element_type=jnp.float32) + b_ref[...]
        y1 = jnp.maximum(h, 0.0) * dinv_ref[...]
        y_ref[0] = y1[:, : dh // 2]
        y_ref[1] = y1[:, dh // 2 :]

    return pl.pallas_call(
        body,
        grid=(npad // r,),
        in_specs=[
            pl.BlockSpec((NC, r, d), lambda i: (0, i, 0)),
            pl.BlockSpec((r, 1), lambda i: (i, 0)),
            pl.BlockSpec(W1.shape, lambda i: (0, 0)),
            pl.BlockSpec((1, dh), lambda i: (0, 0)),
        ],
        out_specs=pl.BlockSpec((NC, r, dh // 2), lambda i: (0, i, 0)),
        out_shape=jax.ShapeDtypeStruct((NC, npad, dh // 2), jnp.float32),
    )(s0, dinv, W1, b1)


def _tc_final(s1, dinv, W2, b2, W3, b3):
    _, npad, fh = s1.shape
    do = W2.shape[1]
    r = npad // 5

    def body(s_ref, dinv_ref, w2_ref, b2_ref, w3_ref, b3_ref, x1_ref, x2_ref):
        ah = jnp.concatenate([s_ref[0], s_ref[1]], axis=1) * dinv_ref[...]
        h2 = jnp.dot(ah, w2_ref[...], preferred_element_type=jnp.float32) + b2_ref[...]
        h3 = jnp.dot(ah, w3_ref[...], preferred_element_type=jnp.float32) + b3_ref[...]
        x1_ref[...] = jnp.maximum(h2, 0.0)
        x2_ref[...] = jnp.maximum(h3, 0.0)

    return pl.pallas_call(
        body,
        grid=(npad // r,),
        in_specs=[
            pl.BlockSpec((NC, r, fh), lambda i: (0, i, 0)),
            pl.BlockSpec((r, 1), lambda i: (i, 0)),
            pl.BlockSpec(W2.shape, lambda i: (0, 0)),
            pl.BlockSpec((1, do), lambda i: (0, 0)),
            pl.BlockSpec(W3.shape, lambda i: (0, 0)),
            pl.BlockSpec((1, do), lambda i: (0, 0)),
        ],
        out_specs=[
            pl.BlockSpec((r, do), lambda i: (i, 0)),
            pl.BlockSpec((r, do), lambda i: (i, 0)),
        ],
        out_shape=[
            jax.ShapeDtypeStruct((npad, do), jnp.float32),
            jax.ShapeDtypeStruct((npad, do), jnp.float32),
        ],
    )(s1, dinv, W2, b2, W3, b3)


def kernel(x, edge_index, W1, b1, W2, b2, W3, b3):
    n, d_in = x.shape
    e = edge_index.shape[1]
    src = edge_index[0].astype(jnp.int32)
    dst = edge_index[1].astype(jnp.int32)

    npad = -(-(n + 1) // 2048) * 2048
    xp = jnp.pad(x, ((0, npad - n), (0, 0)))

    tot_ch = -(-e // CH)
    tot_ch = -(-tot_ch // (NC * NS * 8)) * (NC * NS * 8)
    ep = tot_ch * CH
    srcp = jnp.pad(src, (0, ep - e))
    dstp = jnp.pad(dst, (0, ep - e), constant_values=n)

    srcA = srcp.reshape(NC, tot_ch // NC, CH)
    dstA = dstp.reshape(NC, tot_ch // NC, CH)
    srcB = jnp.stack([srcp, srcp + npad]).reshape(NC, tot_ch, CH)
    dstB = jnp.stack([dstp, dstp]).reshape(NC, tot_ch, CH)

    degs = _sc_degree(dstp.reshape(tot_ch, CH), npad)[:, :, None]

    y0, dinv = _tc_prep(xp, degs)
    s0 = _sc_aggregate(y0.reshape(NC * npad, d_in), srcA, dstA, npad)
    y1 = _tc_hidden(s0, dinv, W1, b1[None, :])
    s1 = _sc_aggregate(y1.reshape(NC * npad, W1.shape[1] // 2), srcB, dstB, npad)
    x1, x2 = _tc_final(s1, dinv, W2, b2[None, :], W3, b3[None, :])
    return (x1[:n], x2[:n])

# --- scband reference (transcript-rebuilt; emitter-appended) ---
"""Pipeline reference for scband-encoder-11708080849202 (READ-ONLY COPY).

The authoritative reference and input builder live on the scoring server;
editing this copy changes nothing except your own understanding.
"""

import jax, jax.numpy as jnp
import numpy as np

N = 10000
E = 320000
D_IN = 128
D_OUT = 128  # out_channels; hidden = 2*D_OUT = 256


def setup_inputs(seed: int = 0) -> dict:
    key = jax.random.key(seed)
    ks = jax.random.split(key, 8)
    x = jax.random.normal(ks[0], (N, D_IN), dtype=jnp.float32)
    edge_index = jax.random.randint(ks[1], (2, E), 0, N)
    # GCNConv weights: linear (no bias) + post-aggregation bias (PyG default)
    def glorot(k, fan_in, fan_out):
        lim = (6.0 / (fan_in + fan_out)) ** 0.5
        return jax.random.uniform(k, (fan_in, fan_out), dtype=jnp.float32, minval=-lim, maxval=lim)
    W1 = glorot(ks[2], D_IN, 2 * D_OUT)
    b1 = jnp.zeros((2 * D_OUT,), dtype=jnp.float32)
    W2 = glorot(ks[3], 2 * D_OUT, D_OUT)
    b2 = jnp.zeros((D_OUT,), dtype=jnp.float32)
    W3 = glorot(ks[4], 2 * D_OUT, D_OUT)
    b3 = jnp.zeros((D_OUT,), dtype=jnp.float32)
    return {"x": x, "edge_index": edge_index, "W1": W1, "b1": b1, "W2": W2, "b2": b2, "W3": W3, "b3": b3}


def gcn_conv(x, edge_index, W, b):
    # Faithful GCNConv: add self-loops, symmetric normalization, scatter-add aggregation
    n = x.shape[0]
    h = x @ W
    loop = jnp.arange(n, dtype=edge_index.dtype)
    src = jnp.concatenate([edge_index[0], loop])
    dst = jnp.concatenate([edge_index[1], loop])
    ones = jnp.ones((src.shape[0],), dtype=x.dtype)
    deg = jax.ops.segment_sum(ones, dst, num_segments=n)
    deg_inv_sqrt = jnp.where(deg > 0, jax.lax.rsqrt(jnp.maximum(deg, 1e-12)), 0.0)
    norm = deg_inv_sqrt[src] * deg_inv_sqrt[dst]
    msg = h[src] * norm[:, None]
    out = jax.ops.segment_sum(msg, dst, num_segments=n)
    return out + b


def reference(x, edge_index, W1, b1, W2, b2, W3, b3):
    hidden = jax.nn.relu(gcn_conv(x, edge_index, W1, b1))
    x1 = jax.nn.relu(gcn_conv(hidden, edge_index, W2, b2))
    x2 = jax.nn.relu(gcn_conv(hidden, edge_index, W3, b3))
    return (x1, x2)

if __name__ == "__main__":
    import jax
    _d = setup_inputs()
    print(jax.jit(kernel)(*tuple(_d.values())))

</pallas_src>

<mosaic_0001>
#map = affine_map<(d0, d1) -> (0, 0)>
module attributes {stable_mosaic.version = 14 : i64} {
  func.func @k(%arg0: i32, %arg1: i32, %arg2: memref<2560x128xi32, #tpu.memory_space<hbm>>, %arg3: memref<2x10240xf32, #tpu.memory_space<hbm>>, %arg4: memref<80x128xi32, #tpu.memory_space<vmem>>, %arg5: memref<640xf32, #tpu.memory_space<vmem>>, %arg6: memref<128xf32, #tpu.memory_space<vmem>>, %arg7: memref<10240xf32, #tpu.memory_space<vmem_shared>>, %arg8: memref<!tpu.dma_semaphore, #tpu.memory_space<semaphore_mem>>) attributes {dimension_semantics = [#tpu.dimension_semantics<core_parallel>, #tpu.dimension_semantics<subcore_parallel>], iteration_bounds = array<i64: 2, 16>, scalar_prefetch = 0 : i64, scratch_operands = 5 : i64, tpu.core_type = #tpu.core_type<sc_vector_subcore>, window_params = [{transform_indices = #map}, {transform_indices = #map}]} {
    %mul3A = arith.constant 16 : i32
    %mul3A_0 = arith.muli %arg0, %mul3A : i32
    %add3A = arith.addi %mul3A_0, %arg1 : i32
    %broadcast_in_dim3A = arith.constant 1.000000e+00 : f32
    %broadcast_in_dim3A_1 = vector.broadcast %broadcast_in_dim3A : f32 to vector<16xf32>
    %swap3A = arith.constant 0 : index
    %swap3A_2 = tpu.vector_load %arg6[%swap3A] {strides = array<i32>} : memref<128xf32, #tpu.memory_space<vmem>>, vector<16xf32>,
    %swap3A_3 = vector.shape_cast %swap3A_2 : vector<16xf32> to vector<16xf32>
    %swap3A_4 = vector.shape_cast %broadcast_in_dim3A_1 : vector<16xf32> to vector<16xf32>
    tpu.vector_store %arg6[%swap3A], %swap3A_4 {strides = array<i32>} : memref<128xf32, #tpu.memory_space<vmem>>, vector<16xf32>,
    %broadcast_in_dim3A_5 = arith.constant 1.000000e+00 : f32
    %broadcast_in_dim3A_6 = vector.broadcast %broadcast_in_dim3A_5 : f32 to vector<16xf32>
    %swap3A_7 = arith.constant 16 : index
    %swap3A_8 = tpu.vector_load %arg6[%swap3A_7] {strides = array<i32>} : memref<128xf32, #tpu.memory_space<vmem>>, vector<16xf32>,
    %swap3A_9 = vector.shape_cast %swap3A_8 : vector<16xf32> to vector<16xf32>
    %swap3A_10 = vector.shape_cast %broadcast_in_dim3A_6 : vector<16xf32> to vector<16xf32>
    tpu.vector_store %arg6[%swap3A_7], %swap3A_10 {strides = array<i32>} : memref<128xf32, #tpu.memory_space<vmem>>, vector<16xf32>,
    %broadcast_in_dim3A_11 = arith.constant 1.000000e+00 : f32
    %broadcast_in_dim3A_12 = vector.broadcast %broadcast_in_dim3A_11 : f32 to vector<16xf32>
    %swap3A_13 = arith.constant 32 : index
    %swap3A_14 = tpu.vector_load %arg6[%swap3A_13] {strides = array<i32>} : memref<128xf32, #tpu.memory_space<vmem>>, vector<16xf32>,
    %swap3A_15 = vector.shape_cast %swap3A_14 : vector<16xf32> to vector<16xf32>
    %swap3A_16 = vector.shape_cast %broadcast_in_dim3A_12 : vector<16xf32> to vector<16xf32>
    tpu.vector_store %arg6[%swap3A_13], %swap3A_16 {strides = array<i32>} : memref<128xf32, #tpu.memory_space<vmem>>, vector<16xf32>,
    %broadcast_in_dim3A_17 = arith.constant 1.000000e+00 : f32
    %broadcast_in_dim3A_18 = vector.broadcast %broadcast_in_dim3A_17 : f32 to vector<16xf32>
    %swap3A_19 = arith.constant 48 : index
    %swap3A_20 = tpu.vector_load %arg6[%swap3A_19] {strides = array<i32>} : memref<128xf32, #tpu.memory_space<vmem>>, vector<16xf32>,
    %swap3A_21 = vector.shape_cast %swap3A_20 : vector<16xf32> to vector<16xf32>
    %swap3A_22 = vector.shape_cast %broadcast_in_dim3A_18 : vector<16xf32> to vector<16xf32>
    tpu.vector_store %arg6[%swap3A_19], %swap3A_22 {strides = array<i32>} : memref<128xf32, #tpu.memory_space<vmem>>, vector<16xf32>,
    %broadcast_in_dim3A_23 = arith.constant 1.000000e+00 : f32
    %broadcast_in_dim3A_24 = vector.broadcast %broadcast_in_dim3A_23 : f32 to vector<16xf32>
    %swap3A_25 = arith.constant 64 : index
    %swap3A_26 = tpu.vector_load %arg6[%swap3A_25] {strides = array<i32>} : memref<128xf32, #tpu.memory_space<vmem>>, vector<16xf32>,
    %swap3A_27 = vector.shape_cast %swap3A_26 : vector<16xf32> to vector<16xf32>
    %swap3A_28 = vector.shape_cast %broadcast_in_dim3A_24 : vector<16xf32> to vector<16xf32>
    tpu.vector_store %arg6[%swap3A_25], %swap3A_28 {strides = array<i32>} : memref<128xf32, #tpu.memory_space<vmem>>, vector<16xf32>,
    %broadcast_in_dim3A_29 = arith.constant 1.000000e+00 : f32
    %broadcast_in_dim3A_30 = vector.broadcast %broadcast_in_dim3A_29 : f32 to vector<16xf32>
    %swap3A_31 = arith.constant 80 : index
    %swap3A_32 = tpu.vector_load %arg6[%swap3A_31] {strides = array<i32>} : memref<128xf32, #tpu.memory_space<vmem>>, vector<16xf32>,
    %swap3A_33 = vector.shape_cast %swap3A_32 : vector<16xf32> to vector<16xf32>
    %swap3A_34 = vector.shape_cast %broadcast_in_dim3A_30 : vector<16xf32> to vector<16xf32>
    tpu.vector_store %arg6[%swap3A_31], %swap3A_34 {strides = array<i32>} : memref<128xf32, #tpu.memory_space<vmem>>, vector<16xf32>,
    %broadcast_in_dim3A_35 = arith.constant 1.000000e+00 : f32
    %broadcast_in_dim3A_36 = vector.broadcast %broadcast_in_dim3A_35 : f32 to vector<16xf32>
    %swap3A_37 = arith.constant 96 : index
    %swap3A_38 = tpu.vector_load %arg6[%swap3A_37] {strides = array<i32>} : memref<128xf32, #tpu.memory_space<vmem>>, vector<16xf32>,
    %swap3A_39 = vector.shape_cast %swap3A_38 : vector<16xf32> to vector<16xf32>
    %swap3A_40 = vector.shape_cast %broadcast_in_dim3A_36 : vector<16xf32> to vector<16xf32>
    tpu.vector_store %arg6[%swap3A_37], %swap3A_40 {strides = array<i32>} : memref<128xf32, #tpu.memory_space<vmem>>, vector<16xf32>,
    %broadcast_in_dim3A_41 = arith.constant 1.000000e+00 : f32
    %broadcast_in_dim3A_42 = vector.broadcast %broadcast_in_dim3A_41 : f32 to vector<16xf32>
    %swap3A_43 = arith.constant 112 : index
    %swap3A_44 = tpu.vector_load %arg6[%swap3A_43] {strides = array<i32>} : memref<128xf32, #tpu.memory_space<vmem>>, vector<16xf32>,
    %swap3A_45 = vector.shape_cast %swap3A_44 : vector<16xf32> to vector<16xf32>
    %swap3A_46 = vector.shape_cast %broadcast_in_dim3A_42 : vector<16xf32> to vector<16xf32>
    tpu.vector_store %arg6[%swap3A_43], %swap3A_46 {strides = array<i32>} : memref<128xf32, #tpu.memory_space<vmem>>, vector<16xf32>,
    %broadcast_in_dim3A_47 = arith.constant 0.000000e+00 : f32
    %broadcast_in_dim3A_48 = vector.broadcast %broadcast_in_dim3A_47 : f32 to vector<16xf32>
    %swap3A_49 = arith.constant 0 : index
    %swap3A_50 = tpu.vector_load %arg5[%swap3A_49] {strides = array<i32>} : memref<640xf32, #tpu.memory_space<vmem>>, vector<16xf32>,
    %swap3A_51 = vector.shape_cast %swap3A_50 : vector<16xf32> to vector<16xf32>
    %swap3A_52 = vector.shape_cast %broadcast_in_dim3A_48 : vector<16xf32> to vector<16xf32>
    tpu.vector_store %arg5[%swap3A_49], %swap3A_52 {strides = array<i32>} : memref<640xf32, #tpu.memory_space<vmem>>, vector<16xf32>,
    %broadcast_in_dim3A_53 = arith.constant 0.000000e+00 : f32
    %broadcast_in_dim3A_54 = vector.broadcast %broadcast_in_dim3A_53 : f32 to vector<16xf32>
    %swap3A_55 = arith.constant 16 : index
    %swap3A_56 = tpu.vector_load %arg5[%swap3A_55] {strides = array<i32>} : memref<640xf32, #tpu.memory_space<vmem>>, vector<16xf32>,
    %swap3A_57 = vector.shape_cast %swap3A_56 : vector<16xf32> to vector<16xf32>
    %swap3A_58 = vector.shape_cast %broadcast_in_dim3A_54 : vector<16xf32> to vector<16xf32>
    tpu.vector_store %arg5[%swap3A_55], %swap3A_58 {strides = array<i32>} : memref<640xf32, #tpu.memory_space<vmem>>, vector<16xf32>,
    %broadcast_in_dim3A_59 = arith.constant 0.000000e+00 : f32
    %broadcast_in_dim3A_60 = vector.broadcast %broadcast_in_dim3A_59 : f32 to vector<16xf32>
    %swap3A_61 = arith.constant 32 : index
    %swap3A_62 = tpu.vector_load %arg5[%swap3A_61] {strides = array<i32>} : memref<640xf32, #tpu.memory_space<vmem>>, vector<16xf32>,
    %swap3A_63 = vector.shape_cast %swap3A_62 : vector<16xf32> to vector<16xf32>
    %swap3A_64 = vector.shape_cast %broadcast_in_dim3A_60 : vector<16xf32> to vector<16xf32>
    tpu.vector_store %arg5[%swap3A_61], %swap3A_64 {strides = array<i32>} : memref<640xf32, #tpu.memory_space<vmem>>, vector<16xf32>,
    %broadcast_in_dim3A_65 = arith.constant 0.000000e+00 : f32
    %broadcast_in_dim3A_66 = vector.broadcast %broadcast_in_dim3A_65 : f32 to vector<16xf32>
    %swap3A_67 = arith.constant 48 : index
    %swap3A_68 = tpu.vector_load %arg5[%swap3A_67] {strides = array<i32>} : memref<640xf32, #tpu.memory_space<vmem>>, vector<16xf32>,
    %swap3A_69 = vector.shape_cast %swap3A_68 : vector<16xf32> to vector<16xf32>
    %swap3A_70 = vector.shape_cast %broadcast_in_dim3A_66 : vector<16xf32> to vector<16xf32>
    tpu.vector_store %arg5[%swap3A_67], %swap3A_70 {strides = array<i32>} : memref<640xf32, #tpu.memory_space<vmem>>, vector<16xf32>,
    %broadcast_in_dim3A_71 = arith.constant 0.000000e+00 : f32
    %broadcast_in_dim3A_72 = vector.broadcast %broadcast_in_dim3A_71 : f32 to vector<16xf32>
    %swap3A_73 = arith.constant 64 : index
    %swap3A_74 = tpu.vector_load %arg5[%swap3A_73] {strides = array<i32>} : memref<640xf32, #tpu.memory_space<vmem>>, vector<16xf32>,
    %swap3A_75 = vector.shape_cast %swap3A_74 : vector<16xf32> to vector<16xf32>
    %swap3A_76 = vector.shape_cast %broadcast_in_dim3A_72 : vector<16xf32> to vector<16xf32>
    tpu.vector_store %arg5[%swap3A_73], %swap3A_76 {strides = array<i32>} : memref<640xf32, #tpu.memory_space<vmem>>, vector<16xf32>,
    %broadcast_in_dim3A_77 = arith.constant 0.000000e+00 : f32
    %broadcast_in_dim3A_78 = vector.broadcast %broadcast_in_dim3A_77 : f32 to vector<16xf32>
    %swap3A_79 = arith.constant 80 : index
    %swap3A_80 = tpu.vector_load %arg5[%swap3A_79] {strides = array<i32>} : memref<640xf32, #tpu.memory_space<vmem>>, vector<16xf32>,
    %swap3A_81 = vector.shape_cast %swap3A_80 : vector<16xf32> to vector<16xf32>
    %swap3A_82 = vector.shape_cast %broadcast_in_dim3A_78 : vector<16xf32> to vector<16xf32>
    tpu.vector_store %arg5[%swap3A_79], %swap3A_82 {strides = array<i32>} : memref<640xf32, #tpu.memory_space<vmem>>, vector<16xf32>,
    %broadcast_in_dim3A_83 = arith.constant 0.000000e+00 : f32
    %broadcast_in_dim3A_84 = vector.broadcast %broadcast_in_dim3A_83 : f32 to vector<16xf32>
    %swap3A_85 = arith.constant 96 : index
    %swap3A_86 = tpu.vector_load %arg5[%swap3A_85] {strides = array<i32>} : memref<640xf32, #tpu.memory_space<vmem>>, vector<16xf32>,
    %swap3A_87 = vector.shape_cast %swap3A_86 : vector<16xf32> to vector<16xf32>
    %swap3A_88 = vector.shape_cast %broadcast_in_dim3A_84 : vector<16xf32> to vector<16xf32>
    tpu.vector_store %arg5[%swap3A_85], %swap3A_88 {strides = array<i32>} : memref<640xf32, #tpu.memory_space<vmem>>, vector<16xf32>,
    %broadcast_in_dim3A_89 = arith.constant 0.000000e+00 : f32
    %broadcast_in_dim3A_90 = vector.broadcast %broadcast_in_dim3A_89 : f32 to vector<16xf32>
    %swap3A_91 = arith.constant 112 : index
    %swap3A_92 = tpu.vector_load %arg5[%swap3A_91] {strides = array<i32>} : memref<640xf32, #tpu.memory_space<vmem>>, vector<16xf32>,
    %swap3A_93 = vector.shape_cast %swap3A_92 : vector<16xf32> to vector<16xf32>
    %swap3A_94 = vector.shape_cast %broadcast_in_dim3A_90 : vector<16xf32> to vector<16xf32>
    tpu.vector_store %arg5[%swap3A_91], %swap3A_94 {strides = array<i32>} : memref<640xf32, #tpu.memory_space<vmem>>, vector<16xf32>,
    %broadcast_in_dim3A_95 = arith.constant 0.000000e+00 : f32
    %broadcast_in_dim3A_96 = vector.broadcast %broadcast_in_dim3A_95 : f32 to vector<16xf32>
    %swap3A_97 = arith.constant 128 : index
    %swap3A_98 = tpu.vector_load %arg5[%swap3A_97] {strides = array<i32>} : memref<640xf32, #tpu.memory_space<vmem>>, vector<16xf32>,
    %swap3A_99 = vector.shape_cast %swap3A_98 : vector<16xf32> to vector<16xf32>
    %swap3A_100 = vector.shape_cast %broadcast_in_dim3A_96 : vector<16xf32> to vector<16xf32>
    tpu.vector_store %arg5[%swap3A_97], %swap3A_100 {strides = array<i32>} : memref<640xf32, #tpu.memory_space<vmem>>, vector<16xf32>,
    %broadcast_in_dim3A_101 = arith.constant 0.000000e+00 : f32
    %broadcast_in_dim3A_102 = vector.broadcast %broadcast_in_dim3A_101 : f32 to vector<16xf32>
    %swap3A_103 = arith.constant 144 : index
    %swap3A_104 = tpu.vector_load %arg5[%swap3A_103] {strides = array<i32>} : memref<640xf32, #tpu.memory_space<vmem>>, vector<16xf32>,
    %swap3A_105 = vector.shape_cast %swap3A_104 : vector<16xf32> to vector<16xf32>
    %swap3A_106 = vector.shape_cast %broadcast_in_dim3A_102 : vector<16xf32> to vector<16xf32>
    tpu.vector_store %arg5[%swap3A_103], %swap3A_106 {strides = array<i32>} : memref<640xf32, #tpu.memory_space<vmem>>, vector<16xf32>,
    %broadcast_in_dim3A_107 = arith.constant 0.000000e+00 : f32
    %broadcast_in_dim3A_108 = vector.broadcast %broadcast_in_dim3A_107 : f32 to vector<16xf32>
    %swap3A_109 = arith.constant 160 : index
    %swap3A_110 = tpu.vector_load %arg5[%swap3A_109] {strides = array<i32>} : memref<640xf32, #tpu.memory_space<vmem>>, vector<16xf32>,
    %swap3A_111 = vector.shape_cast %swap3A_110 : vector<16xf32> to vector<16xf32>
    %swap3A_112 = vector.shape_cast %broadcast_in_dim3A_108 : vector<16xf32> to vector<16xf32>
    tpu.vector_store %arg5[%swap3A_109], %swap3A_112 {strides = array<i32>} : memref<640xf32, #tpu.memory_space<vmem>>, vector<16xf32>,
    %broadcast_in_dim3A_113 = arith.constant 0.000000e+00 : f32
    %broadcast_in_dim3A_114 = vector.broadcast %broadcast_in_dim3A_113 : f32 to vector<16xf32>
    %swap3A_115 = arith.constant 176 : index
    %swap3A_116 = tpu.vector_load %arg5[%swap3A_115] {strides = array<i32>} : memref<640xf32, #tpu.memory_space<vmem>>, vector<16xf32>,
    %swap3A_117 = vector.shape_cast %swap3A_116 : vector<16xf32> to vector<16xf32>
    %swap3A_118 = vector.shape_cast %broadcast_in_dim3A_114 : vector<16xf32> to vector<16xf32>
    tpu.vector_store %arg5[%swap3A_115], %swap3A_118 {strides = array<i32>} : memref<640xf32, #tpu.memory_space<vmem>>, vector<16xf32>,
    %broadcast_in_dim3A_119 = arith.constant 0.000000e+00 : f32
    %broadcast_in_dim3A_120 = vector.broadcast %broadcast_in_dim3A_119 : f32 to vector<16xf32>
    %swap3A_121 = arith.constant 192 : index
    %swap3A_122 = tpu.vector_load %arg5[%swap3A_121] {strides = array<i32>} : memref<640xf32, #tpu.memory_space<vmem>>, vector<16xf32>,
    %swap3A_123 = vector.shape_cast %swap3A_122 : vector<16xf32> to vector<16xf32>
    %swap3A_124 = vector.shape_cast %broadcast_in_dim3A_120 : vector<16xf32> to vector<16xf32>
    tpu.vector_store %arg5[%swap3A_121], %swap3A_124 {strides = array<i32>} : memref<640xf32, #tpu.memory_space<vmem>>, vector<16xf32>,
    %broadcast_in_dim3A_125 = arith.constant 0.000000e+00 : f32
    %broadcast_in_dim3A_126 = vector.broadcast %broadcast_in_dim3A_125 : f32 to vector<16xf32>
    %swap3A_127 = arith.constant 208 : index
    %swap3A_128 = tpu.vector_load %arg5[%swap3A_127] {strides = array<i32>} : memref<640xf32, #tpu.memory_space<vmem>>, vector<16xf32>,
    %swap3A_129 = vector.shape_cast %swap3A_128 : vector<16xf32> to vector<16xf32>
    %swap3A_130 = vector.shape_cast %broadcast_in_dim3A_126 : vector<16xf32> to vector<16xf32>
    tpu.vector_store %arg5[%swap3A_127], %swap3A_130 {strides = array<i32>} : memref<640xf32, #tpu.memory_space<vmem>>, vector<16xf32>,
    %broadcast_in_dim3A_131 = arith.constant 0.000000e+00 : f32
    %broadcast_in_dim3A_132 = vector.broadcast %broadcast_in_dim3A_131 : f32 to vector<16xf32>
    %swap3A_133 = arith.constant 224 : index
    %swap3A_134 = tpu.vector_load %arg5[%swap3A_133] {strides = array<i32>} : memref<640xf32, #tpu.memory_space<vmem>>, vector<16xf32>,
    %swap3A_135 = vector.shape_cast %swap3A_134 : vector<16xf32> to vector<16xf32>
    %swap3A_136 = vector.shape_cast %broadcast_in_dim3A_132 : vector<16xf32> to vector<16xf32>
    tpu.vector_store %arg5[%swap3A_133], %swap3A_136 {strides = array<i32>} : memref<640xf32, #tpu.memory_space<vmem>>, vector<16xf32>,
    %broadcast_in_dim3A_137 = arith.constant 0.000000e+00 : f32
    %broadcast_in_dim3A_138 = vector.broadcast %broadcast_in_dim3A_137 : f32 to vector<16xf32>
    %swap3A_139 = arith.constant 240 : index
    %swap3A_140 = tpu.vector_load %arg5[%swap3A_139] {strides = array<i32>} : memref<640xf32, #tpu.memory_space<vmem>>, vector<16xf32>,
    %swap3A_141 = vector.shape_cast %swap3A_140 : vector<16xf32> to vector<16xf32>
    %swap3A_142 = vector.shape_cast %broadcast_in_dim3A_138 : vector<16xf32> to vector<16xf32>
    tpu.vector_store %arg5[%swap3A_139], %swap3A_142 {strides = array<i32>} : memref<640xf32, #tpu.memory_space<vmem>>, vector<16xf32>,
    %broadcast_in_dim3A_143 = arith.constant 0.000000e+00 : f32
    %broadcast_in_dim3A_144 = vector.broadcast %broadcast_in_dim3A_143 : f32 to vector<16xf32>
    %swap3A_145 = arith.constant 256 : index
    %swap3A_146 = tpu.vector_load %arg5[%swap3A_145] {strides = array<i32>} : memref<640xf32, #tpu.memory_space<vmem>>, vector<16xf32>,
    %swap3A_147 = vector.shape_cast %swap3A_146 : vector<16xf32> to vector<16xf32>
    %swap3A_148 = vector.shape_cast %broadcast_in_dim3A_144 : vector<16xf32> to vector<16xf32>
    tpu.vector_store %arg5[%swap3A_145], %swap3A_148 {strides = array<i32>} : memref<640xf32, #tpu.memory_space<vmem>>, vector<16xf32>,
    %broadcast_in_dim3A_149 = arith.constant 0.000000e+00 : f32
    %broadcast_in_dim3A_150 = vector.broadcast %broadcast_in_dim3A_149 : f32 to vector<16xf32>
    %swap3A_151 = arith.constant 272 : index
    %swap3A_152 = tpu.vector_load %arg5[%swap3A_151] {strides = array<i32>} : memref<640xf32, #tpu.memory_space<vmem>>, vector<16xf32>,
    %swap3A_153 = vector.shape_cast %swap3A_152 : vector<16xf32> to vector<16xf32>
    %swap3A_154 = vector.shape_cast %broadcast_in_dim3A_150 : vector<16xf32> to vector<16xf32>
    tpu.vector_store %arg5[%swap3A_151], %swap3A_154 {strides = array<i32>} : memref<640xf32, #tpu.memory_space<vmem>>, vector<16xf32>,
    %broadcast_in_dim3A_155 = arith.constant 0.000000e+00 : f32
    %broadcast_in_dim3A_156 = vector.broadcast %broadcast_in_dim3A_155 : f32 to vector<16xf32>
    %swap3A_157 = arith.constant 288 : index
    %swap3A_158 = tpu.vector_load %arg5[%swap3A_157] {strides = array<i32>} : memref<640xf32, #tpu.memory_space<vmem>>, vector<16xf32>,
    %swap3A_159 = vector.shape_cast %swap3A_158 : vector<16xf32> to vector<16xf32>
    %swap3A_160 = vector.shape_cast %broadcast_in_dim3A_156 : vector<16xf32> to vector<16xf32>
    tpu.vector_store %arg5[%swap3A_157], %swap3A_160 {strides = array<i32>} : memref<640xf32, #tpu.memory_space<vmem>>, vector<16xf32>,
    %broadcast_in_dim3A_161 = arith.constant 0.000000e+00 : f32
    %broadcast_in_dim3A_162 = vector.broadcast %broadcast_in_dim3A_161 : f32 to vector<16xf32>
    %swap3A_163 = arith.constant 304 : index
    %swap3A_164 = tpu.vector_load %arg5[%swap3A_163] {strides = array<i32>} : memref<640xf32, #tpu.memory_space<vmem>>, vector<16xf32>,
    %swap3A_165 = vector.shape_cast %swap3A_164 : vector<16xf32> to vector<16xf32>
    %swap3A_166 = vector.shape_cast %broadcast_in_dim3A_162 : vector<16xf32> to vector<16xf32>
    tpu.vector_store %arg5[%swap3A_163], %swap3A_166 {strides = array<i32>} : memref<640xf32, #tpu.memory_space<vmem>>, vector<16xf32>,
    %broadcast_in_dim3A_167 = arith.constant 0.000000e+00 : f32
    %broadcast_in_dim3A_168 = vector.broadcast %broadcast_in_dim3A_167 : f32 to vector<16xf32>
    %swap3A_169 = arith.constant 320 : index
    %swap3A_170 = tpu.vector_load %arg5[%swap3A_169] {strides = array<i32>} : memref<640xf32, #tpu.memory_space<vmem>>, vector<16xf32>,
    %swap3A_171 = vector.shape_cast %swap3A_170 : vector<16xf32> to vector<16xf32>
    %swap3A_172 = vector.shape_cast %broadcast_in_dim3A_168 : vector<16xf32> to vector<16xf32>
    tpu.vector_store %arg5[%swap3A_169], %swap3A_172 {strides = array<i32>} : memref<640xf32, #tpu.memory_space<vmem>>, vector<16xf32>,
    %broadcast_in_dim3A_173 = arith.constant 0.000000e+00 : f32
    %broadcast_in_dim3A_174 = vector.broadcast %broadcast_in_dim3A_173 : f32 to vector<16xf32>
    %swap3A_175 = arith.constant 336 : index
    %swap3A_176 = tpu.vector_load %arg5[%swap3A_175] {strides = array<i32>} : memref<640xf32, #tpu.memory_space<vmem>>, vector<16xf32>,
    %swap3A_177 = vector.shape_cast %swap3A_176 : vector<16xf32> to vector<16xf32>
    %swap3A_178 = vector.shape_cast %broadcast_in_dim3A_174 : vector<16xf32> to vector<16xf32>
    tpu.vector_store %arg5[%swap3A_175], %swap3A_178 {strides = array<i32>} : memref<640xf32, #tpu.memory_space<vmem>>, vector<16xf32>,
    %broadcast_in_dim3A_179 = arith.constant 0.000000e+00 : f32
    %broadcast_in_dim3A_180 = vector.broadcast %broadcast_in_dim3A_179 : f32 to vector<16xf32>
    %swap3A_181 = arith.constant 352 : index
    %swap3A_182 = tpu.vector_load %arg5[%swap3A_181] {strides = array<i32>} : memref<640xf32, #tpu.memory_space<vmem>>, vector<16xf32>,
    %swap3A_183 = vector.shape_cast %swap3A_182 : vector<16xf32> to vector<16xf32>
    %swap3A_184 = vector.shape_cast %broadcast_in_dim3A_180 : vector<16xf32> to vector<16xf32>
    tpu.vector_store %arg5[%swap3A_181], %swap3A_184 {strides = array<i32>} : memref<640xf32, #tpu.memory_space<vmem>>, vector<16xf32>,
    %broadcast_in_dim3A_185 = arith.constant 0.000000e+00 : f32
    %broadcast_in_dim3A_186 = vector.broadcast %broadcast_in_dim3A_185 : f32 to vector<16xf32>
    %swap3A_187 = arith.constant 368 : index
    %swap3A_188 = tpu.vector_load %arg5[%swap3A_187] {strides = array<i32>} : memref<640xf32, #tpu.memory_space<vmem>>, vector<16xf32>,
    %swap3A_189 = vector.shape_cast %swap3A_188 : vector<16xf32> to vector<16xf32>
    %swap3A_190 = vector.shape_cast %broadcast_in_dim3A_186 : vector<16xf32> to vector<16xf32>
    tpu.vector_store %arg5[%swap3A_187], %swap3A_190 {strides = array<i32>} : memref<640xf32, #tpu.memory_space<vmem>>, vector<16xf32>,
    %broadcast_in_dim3A_191 = arith.constant 0.000000e+00 : f32
    %broadcast_in_dim3A_192 = vector.broadcast %broadcast_in_dim3A_191 : f32 to vector<16xf32>
    %swap3A_193 = arith.constant 384 : index
    %swap3A_194 = tpu.vector_load %arg5[%swap3A_193] {strides = array<i32>} : memref<640xf32, #tpu.memory_space<vmem>>, vector<16xf32>,
    %swap3A_195 = vector.shape_cast %swap3A_194 : vector<16xf32> to vector<16xf32>
    %swap3A_196 = vector.shape_cast %broadcast_in_dim3A_192 : vector<16xf32> to vector<16xf32>
    tpu.vector_store %arg5[%swap3A_193], %swap3A_196 {strides = array<i32>} : memref<640xf32, #tpu.memory_space<vmem>>, vector<16xf32>,
    %broadcast_in_dim3A_197 = arith.constant 0.000000e+00 : f32
    %broadcast_in_dim3A_198 = vector.broadcast %broadcast_in_dim3A_197 : f32 to vector<16xf32>
    %swap3A_199 = arith.constant 400 : index
    %swap3A_200 = tpu.vector_load %arg5[%swap3A_199] {strides = array<i32>} : memref<640xf32, #tpu.memory_space<vmem>>, vector<16xf32>,
    %swap3A_201 = vector.shape_cast %swap3A_200 : vector<16xf32> to vector<16xf32>
    %swap3A_202 = vector.shape_cast %broadcast_in_dim3A_198 : vector<16xf32> to vector<16xf32>
    tpu.vector_store %arg5[%swap3A_199], %swap3A_202 {strides = array<i32>} : memref<640xf32, #tpu.memory_space<vmem>>, vector<16xf32>,
    %broadcast_in_dim3A_203 = arith.constant 0.000000e+00 : f32
    %broadcast_in_dim3A_204 = vector.broadcast %broadcast_in_dim3A_203 : f32 to vector<16xf32>
    %swap3A_205 = arith.constant 416 : index
    %swap3A_206 = tpu.vector_load %arg5[%swap3A_205] {strides = array<i32>} : memref<640xf32, #tpu.memory_space<vmem>>, vector<16xf32>,
    %swap3A_207 = vector.shape_cast %swap3A_206 : vector<16xf32> to vector<16xf32>
    %swap3A_208 = vector.shape_cast %broadcast_in_dim3A_204 : vector<16xf32> to vector<16xf32>
    tpu.vector_store %arg5[%swap3A_205], %swap3A_208 {strides = array<i32>} : memref<640xf32, #tpu.memory_space<vmem>>, vector<16xf32>,
    %broadcast_in_dim3A_209 = arith.constant 0.000000e+00 : f32
    %broadcast_in_dim3A_210 = vector.broadcast %broadcast_in_dim3A_209 : f32 to vector<16xf32>
    %swap3A_211 = arith.constant 432 : index
    %swap3A_212 = tpu.vector_load %arg5[%swap3A_211] {strides = array<i32>} : memref<640xf32, #tpu.memory_space<vmem>>, vector<16xf32>,
    %swap3A_213 = vector.shape_cast %swap3A_212 : vector<16xf32> to vector<16xf32>
    %swap3A_214 = vector.shape_cast %broadcast_in_dim3A_210 : vector<16xf32> to vector<16xf32>
    tpu.vector_store %arg5[%swap3A_211], %swap3A_214 {strides = array<i32>} : memref<640xf32, #tpu.memory_space<vmem>>, vector<16xf32>,
    %broadcast_in_dim3A_215 = arith.constant 0.000000e+00 : f32
    %broadcast_in_dim3A_216 = vector.broadcast %broadcast_in_dim3A_215 : f32 to vector<16xf32>
    %swap3A_217 = arith.constant 448 : index
    %swap3A_218 = tpu.vector_load %arg5[%swap3A_217] {strides = array<i32>} : memref<640xf32, #tpu.memory_space<vmem>>, vector<16xf32>,
    %swap3A_219 = vector.shape_cast %swap3A_218 : vector<16xf32> to vector<16xf32>
    %swap3A_220 = vector.shape_cast %broadcast_in_dim3A_216 : vector<16xf32> to vector<16xf32>
    tpu.vector_store %arg5[%swap3A_217], %swap3A_220 {strides = array<i32>} : memref<640xf32, #tpu.memory_space<vmem>>, vector<16xf32>,
    %broadcast_in_dim3A_221 = arith.constant 0.000000e+00 : f32
    %broadcast_in_dim3A_222 = vector.broadcast %broadcast_in_dim3A_221 : f32 to vector<16xf32>
    %swap3A_223 = arith.constant 464 : index
    %swap3A_224 = tpu.vector_load %arg5[%swap3A_223] {strides = array<i32>} : memref<640xf32, #tpu.memory_space<vmem>>, vector<16xf32>,
    %swap3A_225 = vector.shape_cast %swap3A_224 : vector<16xf32> to vector<16xf32>
    %swap3A_226 = vector.shape_cast %broadcast_in_dim3A_222 : vector<16xf32> to vector<16xf32>
    tpu.vector_store %arg5[%swap3A_223], %swap3A_226 {strides = array<i32>} : memref<640xf32, #tpu.memory_space<vmem>>, vector<16xf32>,
    %broadcast_in_dim3A_227 = arith.constant 0.000000e+00 : f32
    %broadcast_in_dim3A_228 = vector.broadcast %broadcast_in_dim3A_227 : f32 to vector<16xf32>
    %swap3A_229 = arith.constant 480 : index
    %swap3A_230 = tpu.vector_load %arg5[%swap3A_229] {strides = array<i32>} : memref<640xf32, #tpu.memory_space<vmem>>, vector<16xf32>,
    %swap3A_231 = vector.shape_cast %swap3A_230 : vector<16xf32> to vector<16xf32>
    %swap3A_232 = vector.shape_cast %broadcast_in_dim3A_228 : vector<16xf32> to vector<16xf32>
    tpu.vector_store %arg5[%swap3A_229], %swap3A_232 {strides = array<i32>} : memref<640xf32, #tpu.memory_space<vmem>>, vector<16xf32>,
    %broadcast_in_dim3A_233 = arith.constant 0.000000e+00 : f32
    %broadcast_in_dim3A_234 = vector.broadcast %broadcast_in_dim3A_233 : f32 to vector<16xf32>
    %swap3A_235 = arith.constant 496 : index
    %swap3A_236 = tpu.vector_load %arg5[%swap3A_235] {strides = array<i32>} : memref<640xf32, #tpu.memory_space<vmem>>, vector<16xf32>,
    %swap3A_237 = vector.shape_cast %swap3A_236 : vector<16xf32> to vector<16xf32>
    %swap3A_238 = vector.shape_cast %broadcast_in_dim3A_234 : vector<16xf32> to vector<16xf32>
    tpu.vector_store %arg5[%swap3A_235], %swap3A_238 {strides = array<i32>} : memref<640xf32, #tpu.memory_space<vmem>>, vector<16xf32>,
    %broadcast_in_dim3A_239 = arith.constant 0.000000e+00 : f32
    %broadcast_in_dim3A_240 = vector.broadcast %broadcast_in_dim3A_239 : f32 to vector<16xf32>
    %swap3A_241 = arith.constant 512 : index
    %swap3A_242 = tpu.vector_load %arg5[%swap3A_241] {strides = array<i32>} : memref<640xf32, #tpu.memory_space<vmem>>, vector<16xf32>,
    %swap3A_243 = vector.shape_cast %swap3A_242 : vector<16xf32> to vector<16xf32>
    %swap3A_244 = vector.shape_cast %broadcast_in_dim3A_240 : vector<16xf32> to vector<16xf32>
    tpu.vector_store %arg5[%swap3A_241], %swap3A_244 {strides = array<i32>} : memref<640xf32, #tpu.memory_space<vmem>>, vector<16xf32>,
    %broadcast_in_dim3A_245 = arith.constant 0.000000e+00 : f32
    %broadcast_in_dim3A_246 = vector.broadcast %broadcast_in_dim3A_245 : f32 to vector<16xf32>
    %swap3A_247 = arith.constant 528 : index
    %swap3A_248 = tpu.vector_load %arg5[%swap3A_247] {strides = array<i32>} : memref<640xf32, #tpu.memory_space<vmem>>, vector<16xf32>,
    %swap3A_249 = vector.shape_cast %swap3A_248 : vector<16xf32> to vector<16xf32>
    %swap3A_250 = vector.shape_cast %broadcast_in_dim3A_246 : vector<16xf32> to vector<16xf32>
    tpu.vector_store %arg5[%swap3A_247], %swap3A_250 {strides = array<i32>} : memref<640xf32, #tpu.memory_space<vmem>>, vector<16xf32>,
    %broadcast_in_dim3A_251 = arith.constant 0.000000e+00 : f32
    %broadcast_in_dim3A_252 = vector.broadcast %broadcast_in_dim3A_251 : f32 to vector<16xf32>
    %swap3A_253 = arith.constant 544 : index
    %swap3A_254 = tpu.vector_load %arg5[%swap3A_253] {strides = array<i32>} : memref<640xf32, #tpu.memory_space<vmem>>, vector<16xf32>,
    %swap3A_255 = vector.shape_cast %swap3A_254 : vector<16xf32> to vector<16xf32>
    %swap3A_256 = vector.shape_cast %broadcast_in_dim3A_252 : vector<16xf32> to vector<16xf32>
    tpu.vector_store %arg5[%swap3A_253], %swap3A_256 {strides = array<i32>} : memref<640xf32, #tpu.memory_space<vmem>>, vector<16xf32>,
    %broadcast_in_dim3A_257 = arith.constant 0.000000e+00 : f32
    %broadcast_in_dim3A_258 = vector.broadcast %broadcast_in_dim3A_257 : f32 to vector<16xf32>
    %swap3A_259 = arith.constant 560 : index
    %swap3A_260 = tpu.vector_load %arg5[%swap3A_259] {strides = array<i32>} : memref<640xf32, #tpu.memory_space<vmem>>, vector<16xf32>,
    %swap3A_261 = vector.shape_cast %swap3A_260 : vector<16xf32> to vector<16xf32>
    %swap3A_262 = vector.shape_cast %broadcast_in_dim3A_258 : vector<16xf32> to vector<16xf32>
    tpu.vector_store %arg5[%swap3A_259], %swap3A_262 {strides = array<i32>} : memref<640xf32, #tpu.memory_space<vmem>>, vector<16xf32>,
    %broadcast_in_dim3A_263 = arith.constant 0.000000e+00 : f32
    %broadcast_in_dim3A_264 = vector.broadcast %broadcast_in_dim3A_263 : f32 to vector<16xf32>
    %swap3A_265 = arith.constant 576 : index
    %swap3A_266 = tpu.vector_load %arg5[%swap3A_265] {strides = array<i32>} : memref<640xf32, #tpu.memory_space<vmem>>, vector<16xf32>,
    %swap3A_267 = vector.shape_cast %swap3A_266 : vector<16xf32> to vector<16xf32>
    %swap3A_268 = vector.shape_cast %broadcast_in_dim3A_264 : vector<16xf32> to vector<16xf32>
    tpu.vector_store %arg5[%swap3A_265], %swap3A_268 {strides = array<i32>} : memref<640xf32, #tpu.memory_space<vmem>>, vector<16xf32>,
    %broadcast_in_dim3A_269 = arith.constant 0.000000e+00 : f32
    %broadcast_in_dim3A_270 = vector.broadcast %broadcast_in_dim3A_269 : f32 to vector<16xf32>
    %swap3A_271 = arith.constant 592 : index
    %swap3A_272 = tpu.vector_load %arg5[%swap3A_271] {strides = array<i32>} : memref<640xf32, #tpu.memory_space<vmem>>, vector<16xf32>,
    %swap3A_273 = vector.shape_cast %swap3A_272 : vector<16xf32> to vector<16xf32>
    %swap3A_274 = vector.shape_cast %broadcast_in_dim3A_270 : vector<16xf32> to vector<16xf32>
    tpu.vector_store %arg5[%swap3A_271], %swap3A_274 {strides = array<i32>} : memref<640xf32, #tpu.memory_space<vmem>>, vector<16xf32>,
    %broadcast_in_dim3A_275 = arith.constant 0.000000e+00 : f32
    %broadcast_in_dim3A_276 = vector.broadcast %broadcast_in_dim3A_275 : f32 to vector<16xf32>
    %swap3A_277 = arith.constant 608 : index
    %swap3A_278 = tpu.vector_load %arg5[%swap3A_277] {strides = array<i32>} : memref<640xf32, #tpu.memory_space<vmem>>, vector<16xf32>,
    %swap3A_279 = vector.shape_cast %swap3A_278 : vector<16xf32> to vector<16xf32>
    %swap3A_280 = vector.shape_cast %broadcast_in_dim3A_276 : vector<16xf32> to vector<16xf32>
    tpu.vector_store %arg5[%swap3A_277], %swap3A_280 {strides = array<i32>} : memref<640xf32, #tpu.memory_space<vmem>>, vector<16xf32>,
    %broadcast_in_dim3A_281 = arith.constant 0.000000e+00 : f32
    %broadcast_in_dim3A_282 = vector.broadcast %broadcast_in_dim3A_281 : f32 to vector<16xf32>
    %swap3A_283 = arith.constant 624 : index
    %swap3A_284 = tpu.vector_load %arg5[%swap3A_283] {strides = array<i32>} : memref<640xf32, #tpu.memory_space<vmem>>, vector<16xf32>,
    %swap3A_285 = vector.shape_cast %swap3A_284 : vector<16xf32> to vector<16xf32>
    %swap3A_286 = vector.shape_cast %broadcast_in_dim3A_282 : vector<16xf32> to vector<16xf32>
    tpu.vector_store %arg5[%swap3A_283], %swap3A_286 {strides = array<i32>} : memref<640xf32, #tpu.memory_space<vmem>>, vector<16xf32>,
    %mul3A_287 = arith.constant 640 : i32
    %mul3A_288 = arith.muli %arg1, %mul3A_287 : i32
    "tpu.region"() ({
      %run_scoped3A = tpu.sem_alloc : memref<!tpu.dma_semaphore, #tpu.memory_space<semaphore_mem>>
      %dma_start3A = tpu.memref_slice %arg7[%mul3A_288] : memref<10240xf32, #tpu.memory_space<vmem_shared>> -> memref<640xf32, #tpu.memory_space<vmem_shared>>
      %dma_start3A_300 = tpu.memref_slice %arg7[%mul3A_288] : memref<10240xf32, #tpu.memory_space<vmem_shared>> -> memref<640xf32, #tpu.memory_space<vmem_shared>>
      tpu.enqueue_dma source(%arg5 : memref<640xf32, #tpu.memory_space<vmem>>) target(%dma_start3A_300 : memref<640xf32, #tpu.memory_space<vmem_shared>>) target_semaphore(%run_scoped3A : memref<!tpu.dma_semaphore, #tpu.memory_space<semaphore_mem>>)
      %dma_wait3A = tpu.memref_slice %arg7[%mul3A_288] : memref<10240xf32, #tpu.memory_space<vmem_shared>> -> memref<640xf32, #tpu.memory_space<vmem_shared>>
      %dma_wait3A_301 = tpu.memref_slice %arg7[%mul3A_288] : memref<10240xf32, #tpu.memory_space<vmem_shared>> -> memref<640xf32, #tpu.memory_space<vmem_shared>>
      tpu.wait_dma2 semaphore(%run_scoped3A : memref<!tpu.dma_semaphore, #tpu.memory_space<semaphore_mem>>) src(%arg5 : memref<640xf32, #tpu.memory_space<vmem>>) dst(%dma_wait3A_301 : memref<640xf32, #tpu.memory_space<vmem_shared>>)
      tpu.yield
    }) : () -> ()
    %barrier3A = arith.constant 0 : index
    tpu.barrier barrier_id(%barrier3A)
    %mul3A_289 = arith.constant 80 : i32
    %mul3A_290 = arith.muli %add3A, %mul3A_289 : i32
    "tpu.region"() ({
      %run_scoped3A = tpu.sem_alloc : memref<!tpu.dma_semaphore, #tpu.memory_space<semaphore_mem>>
      %dma_start3A = arith.constant 0 : i32
      %dma_start3A_300 = tpu.memref_slice %arg2[%mul3A_290, %dma_start3A] : memref<2560x128xi32, #tpu.memory_space<hbm>> -> memref<80x128xi32, #tpu.memory_space<hbm>>
      %dma_start3A_301 = arith.constant 0 : i32
      %dma_start3A_302 = tpu.memref_slice %arg2[%mul3A_290, %dma_start3A_301] : memref<2560x128xi32, #tpu.memory_space<hbm>> -> memref<80x128xi32, #tpu.memory_space<hbm>>
      tpu.enqueue_dma source(%dma_start3A_302 : memref<80x128xi32, #tpu.memory_space<hbm>>) target(%arg4 : memref<80x128xi32, #tpu.memory_space<vmem>>) target_semaphore(%run_scoped3A : memref<!tpu.dma_semaphore, #tpu.memory_space<semaphore_mem>>)
      %dma_wait3A = arith.constant 0 : i32
      %dma_wait3A_303 = tpu.memref_slice %arg2[%mul3A_290, %dma_wait3A] : memref<2560x128xi32, #tpu.memory_space<hbm>> -> memref<80x128xi32, #tpu.memory_space<hbm>>
      %dma_wait3A_304 = arith.constant 0 : i32
      %dma_wait3A_305 = tpu.memref_slice %arg2[%mul3A_290, %dma_wait3A_304] : memref<2560x128xi32, #tpu.memory_space<hbm>> -> memref<80x128xi32, #tpu.memory_space<hbm>>
      tpu.wait_dma2 semaphore(%run_scoped3A : memref<!tpu.dma_semaphore, #tpu.memory_space<semaphore_mem>>) src(%dma_wait3A_305 : memref<80x128xi32, #tpu.memory_space<hbm>>) dst(%arg4 : memref<80x128xi32, #tpu.memory_space<vmem>>)
      tpu.yield
    }) : () -> ()
    %scan3A = arith.constant 0 : i32
    %scan3A_291 = arith.constant 80 : i32
    %scan3A_292 = arith.addi %scan3A, %scan3A_291 : i32
    %scan3A_293 = arith.constant 1 : i32
    scf.for %scan3A_300 = %scan3A to %scan3A_292 step %scan3A_293  : i32 {
      %mul3A_301 = arith.constant 1 : i32
      %mul3A_302 = arith.muli %scan3A_300, %mul3A_301 : i32
      %add3A_303 = arith.constant 0 : i32
      %add3A_304 = arith.addi %add3A_303, %mul3A_302 : i32
      "tpu.region"() ({
        %run_scoped3A = tpu.sem_alloc : memref<!tpu.dma_semaphore, #tpu.memory_space<semaphore_mem>>
        %dma_start3A = arith.constant 0 : i32
        %dma_start3A_305 = tpu.memref_slice %arg4[%add3A_304, %dma_start3A] : memref<80x128xi32, #tpu.memory_space<vmem>> -> memref<1x128xi32, #tpu.memory_space<vmem>>
        %dma_start3A_306 = tpu.memref_squeeze %dma_start3A_305 : memref<1x128xi32, #tpu.memory_space<vmem>> -> memref<128xi32, #tpu.memory_space<vmem>>
        %dma_start3A_307 = arith.constant 0 : i32
        %dma_start3A_308 = tpu.memref_slice %arg7[%dma_start3A_307] : memref<10240xf32, #tpu.memory_space<vmem_shared>> -> memref<10240xf32, #tpu.memory_space<vmem_shared>>
        tpu.enqueue_indirect_dma source(%arg6 : memref<128xf32, #tpu.memory_space<vmem>>) target(%dma_start3A_308 : memref<10240xf32, #tpu.memory_space<vmem_shared>>) offsets(%dma_start3A_306 : memref<128xi32, #tpu.memory_space<vmem>>) semaphore(%run_scoped3A : memref<!tpu.dma_semaphore, #tpu.memory_space<semaphore_mem>>) {add = true}
        %dma_wait3A = arith.constant 0 : i32
        %dma_wait3A_309 = tpu.memref_slice %arg4[%add3A_304, %dma_wait3A] : memref<80x128xi32, #tpu.memory_space<vmem>> -> memref<1x128xi32, #tpu.memory_space<vmem>>
        %dma_wait3A_310 = tpu.memref_squeeze %dma_wait3A_309 : memref<1x128xi32, #tpu.memory_space<vmem>> -> memref<128xi32, #tpu.memory_space<vmem>>
        %dma_wait3A_311 = arith.constant 0 : i32
        %dma_wait3A_312 = tpu.memref_slice %arg7[%dma_wait3A_311] : memref<10240xf32, #tpu.memory_space<vmem_shared>> -> memref<10240xf32, #tpu.memory_space<vmem_shared>>
        tpu.wait_indirect_dma semaphore(%run_scoped3A : memref<!tpu.dma_semaphore, #tpu.memory_space<semaphore_mem>>) src(%arg6 : memref<128xf32, #tpu.memory_space<vmem>>) dst(%dma_wait3A_312 : memref<10240xf32, #tpu.memory_space<vmem_shared>>)
        tpu.yield
      }) : () -> ()
    }
    %scan3A_294 = arith.constant 80 : i32
    %barrier3A_295 = arith.constant 0 : index
    tpu.barrier barrier_id(%barrier3A_295)
    %mul3A_296 = arith.constant 640 : i32
    %mul3A_297 = arith.muli %arg1, %mul3A_296 : i32
    %mul3A_298 = arith.constant 640 : i32
    %mul3A_299 = arith.muli %arg1, %mul3A_298 : i32
    "tpu.region"() ({
      %run_scoped3A = tpu.sem_alloc : memref<!tpu.dma_semaphore, #tpu.memory_space<semaphore_mem>>
      %dma_start3A = tpu.memref_slice %arg3[%arg0, %mul3A_299] : memref<2x10240xf32, #tpu.memory_space<hbm>> -> memref<1x640xf32, #tpu.memory_space<hbm>>
      %dma_start3A_300 = tpu.memref_squeeze %dma_start3A : memref<1x640xf32, #tpu.memory_space<hbm>> -> memref<640xf32, #tpu.memory_space<hbm>>
      %dma_start3A_301 = tpu.memref_slice %arg7[%mul3A_297] : memref<10240xf32, #tpu.memory_space<vmem_shared>> -> memref<640xf32, #tpu.memory_space<vmem_shared>>
      tpu.enqueue_dma source(%dma_start3A_301 : memref<640xf32, #tpu.memory_space<vmem_shared>>) target(%dma_start3A_300 : memref<640xf32, #tpu.memory_space<hbm>>) target_semaphore(%run_scoped3A : memref<!tpu.dma_semaphore, #tpu.memory_space<semaphore_mem>>)
      %dma_wait3A = tpu.memref_slice %arg3[%arg0, %mul3A_299] : memref<2x10240xf32, #tpu.memory_space<hbm>> -> memref<1x640xf32, #tpu.memory_space<hbm>>
      %dma_wait3A_302 = tpu.memref_squeeze %dma_wait3A : memref<1x640xf32, #tpu.memory_space<hbm>> -> memref<640xf32, #tpu.memory_space<hbm>>
      %dma_wait3A_303 = tpu.memref_slice %arg7[%mul3A_297] : memref<10240xf32, #tpu.memory_space<vmem_shared>> -> memref<640xf32, #tpu.memory_space<vmem_shared>>
      tpu.wait_dma2 semaphore(%run_scoped3A : memref<!tpu.dma_semaphore, #tpu.memory_space<semaphore_mem>>) src(%dma_wait3A_303 : memref<640xf32, #tpu.memory_space<vmem_shared>>) dst(%dma_wait3A_302 : memref<640xf32, #tpu.memory_space<hbm>>)
      tpu.yield
    }) : () -> ()
    return
  }
}

#map = affine_map<(d0, d1) -> (0, 0)>
#map1 = affine_map<(d0, d1) -> (0, 0, 0)>
module attributes {stable_mosaic.version = 14 : i64} {
  func.func @k(%arg0: i32, %arg1: i32, %arg2: memref<20480x128xf32, #tpu.memory_space<hbm>>, %arg3: memref<2x2560x128xi32, #tpu.memory_space<hbm>>, %arg4: memref<2x2560x128xi32, #tpu.memory_space<hbm>>, %arg5: memref<2x10240x128xf32, #tpu.memory_space<hbm>>, %arg6: memref<16x128xi32, #tpu.memory_space<vmem>>, %arg7: memref<16x128xi32, #tpu.memory_space<vmem>>, %arg8: memref<128x128xf32, #tpu.memory_space<vmem>>, %arg9: memref<10240x128xf32, #tpu.memory_space<vmem_shared>>, %arg10: memref<!tpu.dma_semaphore, #tpu.memory_space<semaphore_mem>>) attributes {dimension_semantics = [#tpu.dimension_semantics<core_parallel>, #tpu.dimension_semantics<subcore_parallel>], iteration_bounds = array<i64: 2, 16>, scalar_prefetch = 0 : i64, scratch_operands = 5 : i64, tpu.core_type = #tpu.core_type<sc_vector_subcore>, window_params = [{transform_indices = #map}, {transform_indices = #map1}, {transform_indices = #map1}, {transform_indices = #map1}]} {
    %mul3A = arith.constant 10240 : i32
    %mul3A_0 = arith.muli %arg0, %mul3A : i32
    %mul3A_1 = arith.constant 640 : i32
    %mul3A_2 = arith.muli %arg1, %mul3A_1 : i32
    %add3A = arith.addi %mul3A_0, %mul3A_2 : i32
    %mul3A_3 = arith.constant 640 : i32
    %mul3A_4 = arith.muli %arg1, %mul3A_3 : i32
    "tpu.region"() ({
      %run_scoped3A = tpu.sem_alloc : memref<!tpu.dma_semaphore, #tpu.memory_space<semaphore_mem>>
      %dma_start3A = arith.constant 0 : i32
      %dma_start3A_14 = tpu.memref_slice %arg9[%mul3A_4, %dma_start3A] : memref<10240x128xf32, #tpu.memory_space<vmem_shared>> -> memref<640x128xf32, #tpu.memory_space<vmem_shared>>
      %dma_start3A_15 = arith.constant 0 : i32
      %dma_start3A_16 = tpu.memref_slice %arg2[%add3A, %dma_start3A_15] : memref<20480x128xf32, #tpu.memory_space<hbm>> -> memref<640x128xf32, #tpu.memory_space<hbm>>
      tpu.enqueue_dma source(%dma_start3A_16 : memref<640x128xf32, #tpu.memory_space<hbm>>) target(%dma_start3A_14 : memref<640x128xf32, #tpu.memory_space<vmem_shared>>) target_semaphore(%run_scoped3A : memref<!tpu.dma_semaphore, #tpu.memory_space<semaphore_mem>>)
      %dma_wait3A = arith.constant 0 : i32
      %dma_wait3A_17 = tpu.memref_slice %arg9[%mul3A_4, %dma_wait3A] : memref<10240x128xf32, #tpu.memory_space<vmem_shared>> -> memref<640x128xf32, #tpu.memory_space<vmem_shared>>
      %dma_wait3A_18 = arith.constant 0 : i32
      %dma_wait3A_19 = tpu.memref_slice %arg2[%add3A, %dma_wait3A_18] : memref<20480x128xf32, #tpu.memory_space<hbm>> -> memref<640x128xf32, #tpu.memory_space<hbm>>
      tpu.wait_dma2 semaphore(%run_scoped3A : memref<!tpu.dma_semaphore, #tpu.memory_space<semaphore_mem>>) src(%dma_wait3A_19 : memref<640x128xf32, #tpu.memory_space<hbm>>) dst(%dma_wait3A_17 : memref<640x128xf32, #tpu.memory_space<vmem_shared>>)
      tpu.yield
    }) : () -> ()
    %barrier3A = arith.constant 0 : index
    tpu.barrier barrier_id(%barrier3A)
    %scan3A = arith.constant 0 : i32
    %scan3A_5 = arith.constant 10 : i32
    %scan3A_6 = arith.addi %scan3A, %scan3A_5 : i32
    %scan3A_7 = arith.constant 1 : i32
    scf.for %scan3A_14 = %scan3A to %scan3A_6 step %scan3A_7  : i32 {
      %mul3A_15 = arith.constant 1 : i32
      %mul3A_16 = arith.muli %scan3A_14, %mul3A_15 : i32
      %add3A_17 = arith.constant 0 : i32
      %add3A_18 = arith.addi %add3A_17, %mul3A_16 : i32
      %mul3A_19 = arith.constant 160 : i32
      %mul3A_20 = arith.muli %arg1, %mul3A_19 : i32
      %mul3A_21 = arith.constant 16 : i32
      %mul3A_22 = arith.muli %add3A_18, %mul3A_21 : i32
      %add3A_23 = arith.addi %mul3A_20, %mul3A_22 : i32
      "tpu.region"() ({
        %run_scoped3A = tpu.sem_alloc : memref<!tpu.dma_semaphore, #tpu.memory_space<semaphore_mem>>
        %dma_start3A = arith.constant 0 : i32
        %dma_start3A_29 = tpu.memref_slice %arg3[%arg0, %add3A_23, %dma_start3A] : memref<2x2560x128xi32, #tpu.memory_space<hbm>> -> memref<1x16x128xi32, #tpu.memory_space<hbm>>
        %dma_start3A_30 = tpu.memref_squeeze %dma_start3A_29 : memref<1x16x128xi32, #tpu.memory_space<hbm>> -> memref<16x128xi32, #tpu.memory_space<hbm>>
        %dma_start3A_31 = arith.constant 0 : i32
        %dma_start3A_32 = tpu.memref_slice %arg3[%arg0, %add3A_23, %dma_start3A_31] : memref<2x2560x128xi32, #tpu.memory_space<hbm>> -> memref<1x16x128xi32, #tpu.memory_space<hbm>>
        %dma_start3A_33 = tpu.memref_squeeze %dma_start3A_32 : memref<1x16x128xi32, #tpu.memory_space<hbm>> -> memref<16x128xi32, #tpu.memory_space<hbm>>
        tpu.enqueue_dma source(%dma_start3A_33 : memref<16x128xi32, #tpu.memory_space<hbm>>) target(%arg6 : memref<16x128xi32, #tpu.memory_space<vmem>>) target_semaphore(%run_scoped3A : memref<!tpu.dma_semaphore, #tpu.memory_space<semaphore_mem>>)
        %dma_wait3A = arith.constant 0 : i32
        %dma_wait3A_34 = tpu.memref_slice %arg3[%arg0, %add3A_23, %dma_wait3A] : memref<2x2560x128xi32, #tpu.memory_space<hbm>> -> memref<1x16x128xi32, #tpu.memory_space<hbm>>
        %dma_wait3A_35 = tpu.memref_squeeze %dma_wait3A_34 : memref<1x16x128xi32, #tpu.memory_space<hbm>> -> memref<16x128xi32, #tpu.memory_space<hbm>>
        %dma_wait3A_36 = arith.constant 0 : i32
        %dma_wait3A_37 = tpu.memref_slice %arg3[%arg0, %add3A_23, %dma_wait3A_36] : memref<2x2560x128xi32, #tpu.memory_space<hbm>> -> memref<1x16x128xi32, #tpu.memory_space<hbm>>
        %dma_wait3A_38 = tpu.memref_squeeze %dma_wait3A_37 : memref<1x16x128xi32, #tpu.memory_space<hbm>> -> memref<16x128xi32, #tpu.memory_space<hbm>>
        tpu.wait_dma2 semaphore(%run_scoped3A : memref<!tpu.dma_semaphore, #tpu.memory_space<semaphore_mem>>) src(%dma_wait3A_38 : memref<16x128xi32, #tpu.memory_space<hbm>>) dst(%arg6 : memref<16x128xi32, #tpu.memory_space<vmem>>)
        tpu.yield
      }) : () -> ()
      "tpu.region"() ({
        %run_scoped3A = tpu.sem_alloc : memref<!tpu.dma_semaphore, #tpu.memory_space<semaphore_mem>>
        %dma_start3A = arith.constant 0 : i32
        %dma_start3A_29 = tpu.memref_slice %arg4[%arg0, %add3A_23, %dma_start3A] : memref<2x2560x128xi32, #tpu.memory_space<hbm>> -> memref<1x16x128xi32, #tpu.memory_space<hbm>>
        %dma_start3A_30 = tpu.memref_squeeze %dma_start3A_29 : memref<1x16x128xi32, #tpu.memory_space<hbm>> -> memref<16x128xi32, #tpu.memory_space<hbm>>
        %dma_start3A_31 = arith.constant 0 : i32
        %dma_start3A_32 = tpu.memref_slice %arg4[%arg0, %add3A_23, %dma_start3A_31] : memref<2x2560x128xi32, #tpu.memory_space<hbm>> -> memref<1x16x128xi32, #tpu.memory_space<hbm>>
        %dma_start3A_33 = tpu.memref_squeeze %dma_start3A_32 : memref<1x16x128xi32, #tpu.memory_space<hbm>> -> memref<16x128xi32, #tpu.memory_space<hbm>>
        tpu.enqueue_dma source(%dma_start3A_33 : memref<16x128xi32, #tpu.memory_space<hbm>>) target(%arg7 : memref<16x128xi32, #tpu.memory_space<vmem>>) target_semaphore(%run_scoped3A : memref<!tpu.dma_semaphore, #tpu.memory_space<semaphore_mem>>)
        %dma_wait3A = arith.constant 0 : i32
        %dma_wait3A_34 = tpu.memref_slice %arg4[%arg0, %add3A_23, %dma_wait3A] : memref<2x2560x128xi32, #tpu.memory_space<hbm>> -> memref<1x16x128xi32, #tpu.memory_space<hbm>>
        %dma_wait3A_35 = tpu.memref_squeeze %dma_wait3A_34 : memref<1x16x128xi32, #tpu.memory_space<hbm>> -> memref<16x128xi32, #tpu.memory_space<hbm>>
        %dma_wait3A_36 = arith.constant 0 : i32
        %dma_wait3A_37 = tpu.memref_slice %arg4[%arg0, %add3A_23, %dma_wait3A_36] : memref<2x2560x128xi32, #tpu.memory_space<hbm>> -> memref<1x16x128xi32, #tpu.memory_space<hbm>>
        %dma_wait3A_38 = tpu.memref_squeeze %dma_wait3A_37 : memref<1x16x128xi32, #tpu.memory_space<hbm>> -> memref<16x128xi32, #tpu.memory_space<hbm>>
        tpu.wait_dma2 semaphore(%run_scoped3A : memref<!tpu.dma_semaphore, #tpu.memory_space<semaphore_mem>>) src(%dma_wait3A_38 : memref<16x128xi32, #tpu.memory_space<hbm>>) dst(%arg7 : memref<16x128xi32, #tpu.memory_space<vmem>>)
        tpu.yield
      }) : () -> ()
      %scan3A_24 = arith.constant 0 : i32
      %scan3A_25 = arith.constant 16 : i32
      %scan3A_26 = arith.addi %scan3A_24, %scan3A_25 : i32
      %scan3A_27 = arith.constant 1 : i32
      scf.for %scan3A_29 = %scan3A_24 to %scan3A_26 step %scan3A_27  : i32 {
        %mul3A_30 = arith.constant 1 : i32
        %mul3A_31 = arith.muli %scan3A_29, %mul3A_30 : i32
        %add3A_32 = arith.constant 0 : i32
        %add3A_33 = arith.addi %add3A_32, %mul3A_31 : i32
        %dma_start3A = arith.constant 0 : i32
        %dma_start3A_34 = tpu.memref_slice %arg6[%add3A_33, %dma_start3A] : memref<16x128xi32, #tpu.memory_space<vmem>> -> memref<1x128xi32, #tpu.memory_space<vmem>>
        %dma_start3A_35 = tpu.memref_squeeze %dma_start3A_34 : memref<1x128xi32, #tpu.memory_space<vmem>> -> memref<128xi32, #tpu.memory_space<vmem>>
        %dma_start3A_36 = arith.constant 0 : i32
        %dma_start3A_37 = arith.constant 0 : i32
        %dma_start3A_38 = tpu.memref_slice %arg2[%dma_start3A_36, %dma_start3A_37] : memref<20480x128xf32, #tpu.memory_space<hbm>> -> memref<20480x128xf32, #tpu.memory_space<hbm>>
        tpu.enqueue_indirect_dma source(%dma_start3A_38 : memref<20480x128xf32, #tpu.memory_space<hbm>>) target(%arg8 : memref<128x128xf32, #tpu.memory_space<vmem>>) offsets(%dma_start3A_35 : memref<128xi32, #tpu.memory_space<vmem>>) semaphore(%arg10 : memref<!tpu.dma_semaphore, #tpu.memory_space<semaphore_mem>>)
        %dma_wait3A = arith.constant 0 : i32
        %dma_wait3A_39 = tpu.memref_slice %arg6[%add3A_33, %dma_wait3A] : memref<16x128xi32, #tpu.memory_space<vmem>> -> memref<1x128xi32, #tpu.memory_space<vmem>>
        %dma_wait3A_40 = tpu.memref_squeeze %dma_wait3A_39 : memref<1x128xi32, #tpu.memory_space<vmem>> -> memref<128xi32, #tpu.memory_space<vmem>>
        %dma_wait3A_41 = arith.constant 0 : i32
        %dma_wait3A_42 = arith.constant 0 : i32
        %dma_wait3A_43 = tpu.memref_slice %arg2[%dma_wait3A_41, %dma_wait3A_42] : memref<20480x128xf32, #tpu.memory_space<hbm>> -> memref<20480x128xf32, #tpu.memory_space<hbm>>
        tpu.wait_indirect_dma semaphore(%arg10 : memref<!tpu.dma_semaphore, #tpu.memory_space<semaphore_mem>>) src(%dma_wait3A_43 : memref<20480x128xf32, #tpu.memory_space<hbm>>) dst(%arg8 : memref<128x128xf32, #tpu.memory_space<vmem>>)
        "tpu.region"() ({
          %run_scoped3A = tpu.sem_alloc : memref<!tpu.dma_semaphore, #tpu.memory_space<semaphore_mem>>
          %dma_start3A_44 = arith.constant 0 : i32
          %dma_start3A_45 = tpu.memref_slice %arg7[%add3A_33, %dma_start3A_44] : memref<16x128xi32, #tpu.memory_space<vmem>> -> memref<1x128xi32, #tpu.memory_space<vmem>>
          %dma_start3A_46 = tpu.memref_squeeze %dma_start3A_45 : memref<1x128xi32, #tpu.memory_space<vmem>> -> memref<128xi32, #tpu.memory_space<vmem>>
          %dma_start3A_47 = arith.constant 0 : i32
          %dma_start3A_48 = arith.constant 0 : i32
          %dma_start3A_49 = tpu.memref_slice %arg9[%dma_start3A_47, %dma_start3A_48] : memref<10240x128xf32, #tpu.memory_space<vmem_shared>> -> memref<10240x128xf32, #tpu.memory_space<vmem_shared>>
          tpu.enqueue_indirect_dma source(%arg8 : memref<128x128xf32, #tpu.memory_space<vmem>>) target(%dma_start3A_49 : memref<10240x128xf32, #tpu.memory_space<vmem_shared>>) offsets(%dma_start3A_46 : memref<128xi32, #tpu.memory_space<vmem>>) semaphore(%run_scoped3A : memref<!tpu.dma_semaphore, #tpu.memory_space<semaphore_mem>>) {add = true}
          %dma_wait3A_50 = arith.constant 0 : i32
          %dma_wait3A_51 = tpu.memref_slice %arg7[%add3A_33, %dma_wait3A_50] : memref<16x128xi32, #tpu.memory_space<vmem>> -> memref<1x128xi32, #tpu.memory_space<vmem>>
          %dma_wait3A_52 = tpu.memref_squeeze %dma_wait3A_51 : memref<1x128xi32, #tpu.memory_space<vmem>> -> memref<128xi32, #tpu.memory_space<vmem>>
          %dma_wait3A_53 = arith.constant 0 : i32
          %dma_wait3A_54 = arith.constant 0 : i32
          %dma_wait3A_55 = tpu.memref_slice %arg9[%dma_wait3A_53, %dma_wait3A_54] : memref<10240x128xf32, #tpu.memory_space<vmem_shared>> -> memref<10240x128xf32, #tpu.memory_space<vmem_shared>>
          tpu.wait_indirect_dma semaphore(%run_scoped3A : memref<!tpu.dma_semaphore, #tpu.memory_space<semaphore_mem>>) src(%arg8 : memref<128x128xf32, #tpu.memory_space<vmem>>) dst(%dma_wait3A_55 : memref<10240x128xf32, #tpu.memory_space<vmem_shared>>)
          tpu.yield
        }) : () -> ()
      }
      %scan3A_28 = arith.constant 16 : i32
    }
    %scan3A_8 = arith.constant 10 : i32
    %barrier3A_9 = arith.constant 0 : index
    tpu.barrier barrier_id(%barrier3A_9)
    %mul3A_10 = arith.constant 640 : i32
    %mul3A_11 = arith.muli %arg1, %mul3A_10 : i32
    %mul3A_12 = arith.constant 640 : i32
    %mul3A_13 = arith.muli %arg1, %mul3A_12 : i32
    "tpu.region"() ({
      %run_scoped3A = tpu.sem_alloc : memref<!tpu.dma_semaphore, #tpu.memory_space<semaphore_mem>>
      %dma_start3A = arith.constant 0 : i32
      %dma_start3A_14 = tpu.memref_slice %arg5[%arg0, %mul3A_13, %dma_start3A] : memref<2x10240x128xf32, #tpu.memory_space<hbm>> -> memref<1x640x128xf32, #tpu.memory_space<hbm>>
      %dma_start3A_15 = tpu.memref_squeeze %dma_start3A_14 : memref<1x640x128xf32, #tpu.memory_space<hbm>> -> memref<640x128xf32, #tpu.memory_space<hbm>>
      %dma_start3A_16 = arith.constant 0 : i32
      %dma_start3A_17 = tpu.memref_slice %arg9[%mul3A_11, %dma_start3A_16] : memref<10240x128xf32, #tpu.memory_space<vmem_shared>> -> memref<640x128xf32, #tpu.memory_space<vmem_shared>>
      tpu.enqueue_dma source(%dma_start3A_17 : memref<640x128xf32, #tpu.memory_space<vmem_shared>>) target(%dma_start3A_15 : memref<640x128xf32, #tpu.memory_space<hbm>>) target_semaphore(%run_scoped3A : memref<!tpu.dma_semaphore, #tpu.memory_space<semaphore_mem>>)
      %dma_wait3A = arith.constant 0 : i32
      %dma_wait3A_18 = tpu.memref_slice %arg5[%arg0, %mul3A_13, %dma_wait3A] : memref<2x10240x128xf32, #tpu.memory_space<hbm>> -> memref<1x640x128xf32, #tpu.memory_space<hbm>>
      %dma_wait3A_19 = tpu.memref_squeeze %dma_wait3A_18 : memref<1x640x128xf32, #tpu.memory_space<hbm>> -> memref<640x128xf32, #tpu.memory_space<hbm>>
      %dma_wait3A_20 = arith.constant 0 : i32
      %dma_wait3A_21 = tpu.memref_slice %arg9[%mul3A_11, %dma_wait3A_20] : memref<10240x128xf32, #tpu.memory_space<vmem_shared>> -> memref<640x128xf32, #tpu.memory_space<vmem_shared>>
      tpu.wait_dma2 semaphore(%run_scoped3A : memref<!tpu.dma_semaphore, #tpu.memory_space<semaphore_mem>>) src(%dma_wait3A_21 : memref<640x128xf32, #tpu.memory_space<vmem_shared>>) dst(%dma_wait3A_19 : memref<640x128xf32, #tpu.memory_space<hbm>>)
      tpu.yield
    }) : () -> ()
    return
  }
}

#map = affine_map<(d0, d1) -> (0, 0)>
#map1 = affine_map<(d0, d1) -> (0, 0, 0)>
module attributes {stable_mosaic.version = 14 : i64} {
  func.func @k(%arg0: i32, %arg1: i32, %arg2: memref<20480x128xf32, #tpu.memory_space<hbm>>, %arg3: memref<2x1280x128xi32, #tpu.memory_space<hbm>>, %arg4: memref<2x1280x128xi32, #tpu.memory_space<hbm>>, %arg5: memref<2x10240x128xf32, #tpu.memory_space<hbm>>, %arg6: memref<16x128xi32, #tpu.memory_space<vmem>>, %arg7: memref<16x128xi32, #tpu.memory_space<vmem>>, %arg8: memref<128x128xf32, #tpu.memory_space<vmem>>, %arg9: memref<10240x128xf32, #tpu.memory_space<vmem_shared>>, %arg10: memref<!tpu.dma_semaphore, #tpu.memory_space<semaphore_mem>>) attributes {dimension_semantics = [#tpu.dimension_semantics<core_parallel>, #tpu.dimension_semantics<subcore_parallel>], iteration_bounds = array<i64: 2, 16>, scalar_prefetch = 0 : i64, scratch_operands = 5 : i64, tpu.core_type = #tpu.core_type<sc_vector_subcore>, window_params = [{transform_indices = #map}, {transform_indices = #map1}, {transform_indices = #map1}, {transform_indices = #map1}]} {
    %mul3A = arith.constant 10240 : i32
    %mul3A_0 = arith.muli %arg0, %mul3A : i32
    %mul3A_1 = arith.constant 640 : i32
    %mul3A_2 = arith.muli %arg1, %mul3A_1 : i32
    %add3A = arith.addi %mul3A_0, %mul3A_2 : i32
    %mul3A_3 = arith.constant 640 : i32
    %mul3A_4 = arith.muli %arg1, %mul3A_3 : i32
    "tpu.region"() ({
      %run_scoped3A = tpu.sem_alloc : memref<!tpu.dma_semaphore, #tpu.memory_space<semaphore_mem>>
      %dma_start3A = arith.constant 0 : i32
      %dma_start3A_14 = tpu.memref_slice %arg9[%mul3A_4, %dma_start3A] : memref<10240x128xf32, #tpu.memory_space<vmem_shared>> -> memref<640x128xf32, #tpu.memory_space<vmem_shared>>
      %dma_start3A_15 = arith.constant 0 : i32
      %dma_start3A_16 = tpu.memref_slice %arg2[%add3A, %dma_start3A_15] : memref<20480x128xf32, #tpu.memory_space<hbm>> -> memref<640x128xf32, #tpu.memory_space<hbm>>
      tpu.enqueue_dma source(%dma_start3A_16 : memref<640x128xf32, #tpu.memory_space<hbm>>) target(%dma_start3A_14 : memref<640x128xf32, #tpu.memory_space<vmem_shared>>) target_semaphore(%run_scoped3A : memref<!tpu.dma_semaphore, #tpu.memory_space<semaphore_mem>>)
      %dma_wait3A = arith.constant 0 : i32
      %dma_wait3A_17 = tpu.memref_slice %arg9[%mul3A_4, %dma_wait3A] : memref<10240x128xf32, #tpu.memory_space<vmem_shared>> -> memref<640x128xf32, #tpu.memory_space<vmem_shared>>
      %dma_wait3A_18 = arith.constant 0 : i32
      %dma_wait3A_19 = tpu.memref_slice %arg2[%add3A, %dma_wait3A_18] : memref<20480x128xf32, #tpu.memory_space<hbm>> -> memref<640x128xf32, #tpu.memory_space<hbm>>
      tpu.wait_dma2 semaphore(%run_scoped3A : memref<!tpu.dma_semaphore, #tpu.memory_space<semaphore_mem>>) src(%dma_wait3A_19 : memref<640x128xf32, #tpu.memory_space<hbm>>) dst(%dma_wait3A_17 : memref<640x128xf32, #tpu.memory_space<vmem_shared>>)
      tpu.yield
    }) : () -> ()
    %barrier3A = arith.constant 0 : index
    tpu.barrier barrier_id(%barrier3A)
    %scan3A = arith.constant 0 : i32
    %scan3A_5 = arith.constant 5 : i32
    %scan3A_6 = arith.addi %scan3A, %scan3A_5 : i32
    %scan3A_7 = arith.constant 1 : i32
    scf.for %scan3A_14 = %scan3A to %scan3A_6 step %scan3A_7  : i32 {
      %mul3A_15 = arith.constant 1 : i32
      %mul3A_16 = arith.muli %scan3A_14, %mul3A_15 : i32
      %add3A_17 = arith.constant 0 : i32
      %add3A_18 = arith.addi %add3A_17, %mul3A_16 : i32
      %mul3A_19 = arith.constant 80 : i32
      %mul3A_20 = arith.muli %arg1, %mul3A_19 : i32
      %mul3A_21 = arith.constant 16 : i32
      %mul3A_22 = arith.muli %add3A_18, %mul3A_21 : i32
      %add3A_23 = arith.addi %mul3A_20, %mul3A_22 : i32
      "tpu.region"() ({
        %run_scoped3A = tpu.sem_alloc : memref<!tpu.dma_semaphore, #tpu.memory_space<semaphore_mem>>
        %dma_start3A = arith.constant 0 : i32
        %dma_start3A_29 = tpu.memref_slice %arg3[%arg0, %add3A_23, %dma_start3A] : memref<2x1280x128xi32, #tpu.memory_space<hbm>> -> memref<1x16x128xi32, #tpu.memory_space<hbm>>
        %dma_start3A_30 = tpu.memref_squeeze %dma_start3A_29 : memref<1x16x128xi32, #tpu.memory_space<hbm>> -> memref<16x128xi32, #tpu.memory_space<hbm>>
        %dma_start3A_31 = arith.constant 0 : i32
        %dma_start3A_32 = tpu.memref_slice %arg3[%arg0, %add3A_23, %dma_start3A_31] : memref<2x1280x128xi32, #tpu.memory_space<hbm>> -> memref<1x16x128xi32, #tpu.memory_space<hbm>>
        %dma_start3A_33 = tpu.memref_squeeze %dma_start3A_32 : memref<1x16x128xi32, #tpu.memory_space<hbm>> -> memref<16x128xi32, #tpu.memory_space<hbm>>
        tpu.enqueue_dma source(%dma_start3A_33 : memref<16x128xi32, #tpu.memory_space<hbm>>) target(%arg6 : memref<16x128xi32, #tpu.memory_space<vmem>>) target_semaphore(%run_scoped3A : memref<!tpu.dma_semaphore, #tpu.memory_space<semaphore_mem>>)
        %dma_wait3A = arith.constant 0 : i32
        %dma_wait3A_34 = tpu.memref_slice %arg3[%arg0, %add3A_23, %dma_wait3A] : memref<2x1280x128xi32, #tpu.memory_space<hbm>> -> memref<1x16x128xi32, #tpu.memory_space<hbm>>
        %dma_wait3A_35 = tpu.memref_squeeze %dma_wait3A_34 : memref<1x16x128xi32, #tpu.memory_space<hbm>> -> memref<16x128xi32, #tpu.memory_space<hbm>>
        %dma_wait3A_36 = arith.constant 0 : i32
        %dma_wait3A_37 = tpu.memref_slice %arg3[%arg0, %add3A_23, %dma_wait3A_36] : memref<2x1280x128xi32, #tpu.memory_space<hbm>> -> memref<1x16x128xi32, #tpu.memory_space<hbm>>
        %dma_wait3A_38 = tpu.memref_squeeze %dma_wait3A_37 : memref<1x16x128xi32, #tpu.memory_space<hbm>> -> memref<16x128xi32, #tpu.memory_space<hbm>>
        tpu.wait_dma2 semaphore(%run_scoped3A : memref<!tpu.dma_semaphore, #tpu.memory_space<semaphore_mem>>) src(%dma_wait3A_38 : memref<16x128xi32, #tpu.memory_space<hbm>>) dst(%arg6 : memref<16x128xi32, #tpu.memory_space<vmem>>)
        tpu.yield
      }) : () -> ()
      "tpu.region"() ({
        %run_scoped3A = tpu.sem_alloc : memref<!tpu.dma_semaphore, #tpu.memory_space<semaphore_mem>>
        %dma_start3A = arith.constant 0 : i32
        %dma_start3A_29 = tpu.memref_slice %arg4[%arg0, %add3A_23, %dma_start3A] : memref<2x1280x128xi32, #tpu.memory_space<hbm>> -> memref<1x16x128xi32, #tpu.memory_space<hbm>>
        %dma_start3A_30 = tpu.memref_squeeze %dma_start3A_29 : memref<1x16x128xi32, #tpu.memory_space<hbm>> -> memref<16x128xi32, #tpu.memory_space<hbm>>
        %dma_start3A_31 = arith.constant 0 : i32
        %dma_start3A_32 = tpu.memref_slice %arg4[%arg0, %add3A_23, %dma_start3A_31] : memref<2x1280x128xi32, #tpu.memory_space<hbm>> -> memref<1x16x128xi32, #tpu.memory_space<hbm>>
        %dma_start3A_33 = tpu.memref_squeeze %dma_start3A_32 : memref<1x16x128xi32, #tpu.memory_space<hbm>> -> memref<16x128xi32, #tpu.memory_space<hbm>>
        tpu.enqueue_dma source(%dma_start3A_33 : memref<16x128xi32, #tpu.memory_space<hbm>>) target(%arg7 : memref<16x128xi32, #tpu.memory_space<vmem>>) target_semaphore(%run_scoped3A : memref<!tpu.dma_semaphore, #tpu.memory_space<semaphore_mem>>)
        %dma_wait3A = arith.constant 0 : i32
        %dma_wait3A_34 = tpu.memref_slice %arg4[%arg0, %add3A_23, %dma_wait3A] : memref<2x1280x128xi32, #tpu.memory_space<hbm>> -> memref<1x16x128xi32, #tpu.memory_space<hbm>>
        %dma_wait3A_35 = tpu.memref_squeeze %dma_wait3A_34 : memref<1x16x128xi32, #tpu.memory_space<hbm>> -> memref<16x128xi32, #tpu.memory_space<hbm>>
        %dma_wait3A_36 = arith.constant 0 : i32
        %dma_wait3A_37 = tpu.memref_slice %arg4[%arg0, %add3A_23, %dma_wait3A_36] : memref<2x1280x128xi32, #tpu.memory_space<hbm>> -> memref<1x16x128xi32, #tpu.memory_space<hbm>>
        %dma_wait3A_38 = tpu.memref_squeeze %dma_wait3A_37 : memref<1x16x128xi32, #tpu.memory_space<hbm>> -> memref<16x128xi32, #tpu.memory_space<hbm>>
        tpu.wait_dma2 semaphore(%run_scoped3A : memref<!tpu.dma_semaphore, #tpu.memory_space<semaphore_mem>>) src(%dma_wait3A_38 : memref<16x128xi32, #tpu.memory_space<hbm>>) dst(%arg7 : memref<16x128xi32, #tpu.memory_space<vmem>>)
        tpu.yield
      }) : () -> ()
      %scan3A_24 = arith.constant 0 : i32
      %scan3A_25 = arith.constant 16 : i32
      %scan3A_26 = arith.addi %scan3A_24, %scan3A_25 : i32
      %scan3A_27 = arith.constant 1 : i32
      scf.for %scan3A_29 = %scan3A_24 to %scan3A_26 step %scan3A_27  : i32 {
        %mul3A_30 = arith.constant 1 : i32
        %mul3A_31 = arith.muli %scan3A_29, %mul3A_30 : i32
        %add3A_32 = arith.constant 0 : i32
        %add3A_33 = arith.addi %add3A_32, %mul3A_31 : i32
        %dma_start3A = arith.constant 0 : i32
        %dma_start3A_34 = tpu.memref_slice %arg6[%add3A_33, %dma_start3A] : memref<16x128xi32, #tpu.memory_space<vmem>> -> memref<1x128xi32, #tpu.memory_space<vmem>>
        %dma_start3A_35 = tpu.memref_squeeze %dma_start3A_34 : memref<1x128xi32, #tpu.memory_space<vmem>> -> memref<128xi32, #tpu.memory_space<vmem>>
        %dma_start3A_36 = arith.constant 0 : i32
        %dma_start3A_37 = arith.constant 0 : i32
        %dma_start3A_38 = tpu.memref_slice %arg2[%dma_start3A_36, %dma_start3A_37] : memref<20480x128xf32, #tpu.memory_space<hbm>> -> memref<20480x128xf32, #tpu.memory_space<hbm>>
        tpu.enqueue_indirect_dma source(%dma_start3A_38 : memref<20480x128xf32, #tpu.memory_space<hbm>>) target(%arg8 : memref<128x128xf32, #tpu.memory_space<vmem>>) offsets(%dma_start3A_35 : memref<128xi32, #tpu.memory_space<vmem>>) semaphore(%arg10 : memref<!tpu.dma_semaphore, #tpu.memory_space<semaphore_mem>>)
        %dma_wait3A = arith.constant 0 : i32
        %dma_wait3A_39 = tpu.memref_slice %arg6[%add3A_33, %dma_wait3A] : memref<16x128xi32, #tpu.memory_space<vmem>> -> memref<1x128xi32, #tpu.memory_space<vmem>>
        %dma_wait3A_40 = tpu.memref_squeeze %dma_wait3A_39 : memref<1x128xi32, #tpu.memory_space<vmem>> -> memref<128xi32, #tpu.memory_space<vmem>>
        %dma_wait3A_41 = arith.constant 0 : i32
        %dma_wait3A_42 = arith.constant 0 : i32
        %dma_wait3A_43 = tpu.memref_slice %arg2[%dma_wait3A_41, %dma_wait3A_42] : memref<20480x128xf32, #tpu.memory_space<hbm>> -> memref<20480x128xf32, #tpu.memory_space<hbm>>
        tpu.wait_indirect_dma semaphore(%arg10 : memref<!tpu.dma_semaphore, #tpu.memory_space<semaphore_mem>>) src(%dma_wait3A_43 : memref<20480x128xf32, #tpu.memory_space<hbm>>) dst(%arg8 : memref<128x128xf32, #tpu.memory_space<vmem>>)
        "tpu.region"() ({
          %run_scoped3A = tpu.sem_alloc : memref<!tpu.dma_semaphore, #tpu.memory_space<semaphore_mem>>
          %dma_start3A_44 = arith.constant 0 : i32
          %dma_start3A_45 = tpu.memref_slice %arg7[%add3A_33, %dma_start3A_44] : memref<16x128xi32, #tpu.memory_space<vmem>> -> memref<1x128xi32, #tpu.memory_space<vmem>>
          %dma_start3A_46 = tpu.memref_squeeze %dma_start3A_45 : memref<1x128xi32, #tpu.memory_space<vmem>> -> memref<128xi32, #tpu.memory_space<vmem>>
          %dma_start3A_47 = arith.constant 0 : i32
          %dma_start3A_48 = arith.constant 0 : i32
          %dma_start3A_49 = tpu.memref_slice %arg9[%dma_start3A_47, %dma_start3A_48] : memref<10240x128xf32, #tpu.memory_space<vmem_shared>> -> memref<10240x128xf32, #tpu.memory_space<vmem_shared>>
          tpu.enqueue_indirect_dma source(%arg8 : memref<128x128xf32, #tpu.memory_space<vmem>>) target(%dma_start3A_49 : memref<10240x128xf32, #tpu.memory_space<vmem_shared>>) offsets(%dma_start3A_46 : memref<128xi32, #tpu.memory_space<vmem>>) semaphore(%run_scoped3A : memref<!tpu.dma_semaphore, #tpu.memory_space<semaphore_mem>>) {add = true}
          %dma_wait3A_50 = arith.constant 0 : i32
          %dma_wait3A_51 = tpu.memref_slice %arg7[%add3A_33, %dma_wait3A_50] : memref<16x128xi32, #tpu.memory_space<vmem>> -> memref<1x128xi32, #tpu.memory_space<vmem>>
          %dma_wait3A_52 = tpu.memref_squeeze %dma_wait3A_51 : memref<1x128xi32, #tpu.memory_space<vmem>> -> memref<128xi32, #tpu.memory_space<vmem>>
          %dma_wait3A_53 = arith.constant 0 : i32
          %dma_wait3A_54 = arith.constant 0 : i32
          %dma_wait3A_55 = tpu.memref_slice %arg9[%dma_wait3A_53, %dma_wait3A_54] : memref<10240x128xf32, #tpu.memory_space<vmem_shared>> -> memref<10240x128xf32, #tpu.memory_space<vmem_shared>>
          tpu.wait_indirect_dma semaphore(%run_scoped3A : memref<!tpu.dma_semaphore, #tpu.memory_space<semaphore_mem>>) src(%arg8 : memref<128x128xf32, #tpu.memory_space<vmem>>) dst(%dma_wait3A_55 : memref<10240x128xf32, #tpu.memory_space<vmem_shared>>)
          tpu.yield
        }) : () -> ()
      }
      %scan3A_28 = arith.constant 16 : i32
    }
    %scan3A_8 = arith.constant 5 : i32
    %barrier3A_9 = arith.constant 0 : index
    tpu.barrier barrier_id(%barrier3A_9)
    %mul3A_10 = arith.constant 640 : i32
    %mul3A_11 = arith.muli %arg1, %mul3A_10 : i32
    %mul3A_12 = arith.constant 640 : i32
    %mul3A_13 = arith.muli %arg1, %mul3A_12 : i32
    "tpu.region"() ({
      %run_scoped3A = tpu.sem_alloc : memref<!tpu.dma_semaphore, #tpu.memory_space<semaphore_mem>>
      %dma_start3A = arith.constant 0 : i32
      %dma_start3A_14 = tpu.memref_slice %arg5[%arg0, %mul3A_13, %dma_start3A] : memref<2x10240x128xf32, #tpu.memory_space<hbm>> -> memref<1x640x128xf32, #tpu.memory_space<hbm>>
      %dma_start3A_15 = tpu.memref_squeeze %dma_start3A_14 : memref<1x640x128xf32, #tpu.memory_space<hbm>> -> memref<640x128xf32, #tpu.memory_space<hbm>>
      %dma_start3A_16 = arith.constant 0 : i32
      %dma_start3A_17 = tpu.memref_slice %arg9[%mul3A_11, %dma_start3A_16] : memref<10240x128xf32, #tpu.memory_space<vmem_shared>> -> memref<640x128xf32, #tpu.memory_space<vmem_shared>>
      tpu.enqueue_dma source(%dma_start3A_17 : memref<640x128xf32, #tpu.memory_space<vmem_shared>>) target(%dma_start3A_15 : memref<640x128xf32, #tpu.memory_space<hbm>>) target_semaphore(%run_scoped3A : memref<!tpu.dma_semaphore, #tpu.memory_space<semaphore_mem>>)
      %dma_wait3A = arith.constant 0 : i32
      %dma_wait3A_18 = tpu.memref_slice %arg5[%arg0, %mul3A_13, %dma_wait3A] : memref<2x10240x128xf32, #tpu.memory_space<hbm>> -> memref<1x640x128xf32, #tpu.memory_space<hbm>>
      %dma_wait3A_19 = tpu.memref_squeeze %dma_wait3A_18 : memref<1x640x128xf32, #tpu.memory_space<hbm>> -> memref<640x128xf32, #tpu.memory_space<hbm>>
      %dma_wait3A_20 = arith.constant 0 : i32
      %dma_wait3A_21 = tpu.memref_slice %arg9[%mul3A_11, %dma_wait3A_20] : memref<10240x128xf32, #tpu.memory_space<vmem_shared>> -> memref<640x128xf32, #tpu.memory_space<vmem_shared>>
      tpu.wait_dma2 semaphore(%run_scoped3A : memref<!tpu.dma_semaphore, #tpu.memory_space<semaphore_mem>>) src(%dma_wait3A_21 : memref<640x128xf32, #tpu.memory_space<vmem_shared>>) dst(%dma_wait3A_19 : memref<640x128xf32, #tpu.memory_space<hbm>>)
      tpu.yield
    }) : () -> ()
    return
  }
}

module attributes {stable_mosaic.version = 14 : i64} {
  func.func @body(%arg0: i32, %arg1: memref<2048x128xf32, #tpu.memory_space<vmem>>, %arg2: memref<2x2048x1xf32, #tpu.memory_space<vmem>>, %arg3: memref<2x2048x128xf32, #tpu.memory_space<vmem>>, %arg4: memref<2048x1xf32, #tpu.memory_space<vmem>>) attributes {dimension_semantics = [#tpu.dimension_semantics<arbitrary>], iteration_bounds = array<i64: 5>, scalar_prefetch = 0 : i64, scratch_operands = 0 : i64, tpu.core_type = #tpu.core_type<tc>, window_params = [{transform_indices = @transform_0, window_bounds = array<i64: 2048, 128>}, {transform_indices = @transform_1, window_bounds = array<i64: 2, 2048, 1>}, {transform_indices = @transform_2, window_bounds = array<i64: 2, 2048, 128>}, {transform_indices = @transform_3, window_bounds = array<i64: 2048, 1>}]} {
    %get3A = arith.constant 0 : index
    %get3A_0 = arith.constant 0 : index
    %get3A_1 = arith.constant 0 : index
    %get3A_2 = vector.load %arg2[%get3A, %get3A_0, %get3A_1] : memref<2x2048x1xf32, #tpu.memory_space<vmem>>, vector<1x2048x1xf32>
    %get3A_3 = vector.shape_cast %get3A_2 : vector<1x2048x1xf32> to vector<2048x1xf32>
    %get3A_4 = arith.constant 1 : index
    %get3A_5 = arith.constant 0 : index
    %get3A_6 = arith.constant 0 : index
    %get3A_7 = vector.load %arg2[%get3A_4, %get3A_5, %get3A_6] : memref<2x2048x1xf32, #tpu.memory_space<vmem>>, vector<1x2048x1xf32>
    %get3A_8 = vector.shape_cast %get3A_7 : vector<1x2048x1xf32> to vector<2048x1xf32>
    %add3A = arith.addf %get3A_3, %get3A_8 : vector<2048x1xf32>
    %add3A_9 = arith.constant 1.000000e+00 : f32
    %add3A_10 = vector.broadcast %add3A_9 : f32 to vector<2048x1xf32>
    %add3A_11 = arith.addf %add3A, %add3A_10 : vector<2048x1xf32>
    %rsqrt3A = math.rsqrt %add3A_11 : vector<2048x1xf32>
    %get3A_12 = arith.constant 0 : index
    %get3A_13 = arith.constant 0 : index
    %get3A_14 = vector.load %arg1[%get3A_12, %get3A_13] : memref<2048x128xf32, #tpu.memory_space<vmem>>, vector<2048x128xf32>
    %mul3A = vector.broadcast %rsqrt3A : vector<2048x1xf32> to vector<2048x128xf32>
    %mul3A_15 = arith.mulf %get3A_14, %mul3A : vector<2048x128xf32>
    %swap3A = arith.constant 0 : index
    %swap3A_16 = arith.constant 0 : index
    %swap3A_17 = arith.constant 0 : index
    %swap3A_18 = vector.load %arg3[%swap3A, %swap3A_16, %swap3A_17] : memref<2x2048x128xf32, #tpu.memory_space<vmem>>, vector<1x2048x128xf32>
    %swap3A_19 = vector.shape_cast %swap3A_18 : vector<1x2048x128xf32> to vector<2048x128xf32>
    %swap3A_20 = vector.shape_cast %mul3A_15 : vector<2048x128xf32> to vector<1x2048x128xf32>
    tpu.vector_store %arg3[%swap3A, %swap3A_16, %swap3A_17], %swap3A_20 {strides = array<i32>} : memref<2x2048x128xf32, #tpu.memory_space<vmem>>, vector<1x2048x128xf32>,
    %broadcast_in_dim3A = arith.constant 0.000000e+00 : f32
    %broadcast_in_dim3A_21 = vector.broadcast %broadcast_in_dim3A : f32 to vector<2048x128xf32>
    %swap3A_22 = arith.constant 1 : index
    %swap3A_23 = arith.constant 0 : index
    %swap3A_24 = arith.constant 0 : index
    %swap3A_25 = vector.load %arg3[%swap3A_22, %swap3A_23, %swap3A_24] : memref<2x2048x128xf32, #tpu.memory_space<vmem>>, vector<1x2048x128xf32>
    %swap3A_26 = vector.shape_cast %swap3A_25 : vector<1x2048x128xf32> to vector<2048x128xf32>
    %swap3A_27 = vector.shape_cast %broadcast_in_dim3A_21 : vector<2048x128xf32> to vector<1x2048x128xf32>
    tpu.vector_store %arg3[%swap3A_22, %swap3A_23, %swap3A_24], %swap3A_27 {strides = array<i32>} : memref<2x2048x128xf32, #tpu.memory_space<vmem>>, vector<1x2048x128xf32>,
    %swap3A_28 = arith.constant 0 : index
    %swap3A_29 = arith.constant 0 : index
    %swap3A_30 = vector.load %arg4[%swap3A_28, %swap3A_29] : memref<2048x1xf32, #tpu.memory_space<vmem>>, vector<2048x1xf32>
    tpu.vector_store %arg4[%swap3A_28, %swap3A_29], %rsqrt3A {strides = array<i32>} : memref<2048x1xf32, #tpu.memory_space<vmem>>, vector<2048x1xf32>,
    return
  }
  func.func @transform_0(%arg0: i32) -> (i32, i32) {
    %c0_i32 = arith.constant 0 : i32
    %c0_i32_0 = arith.constant 0 : i32
    return %arg0, %c0_i32 : i32, i32
  }
  func.func @transform_1(%arg0: i32) -> (i32, i32, i32) {
    %c0_i32 = arith.constant 0 : i32
    %c0_i32_0 = arith.constant 0 : i32
    %c0_i32_1 = arith.constant 0 : i32
    return %c0_i32, %arg0, %c0_i32_0 : i32, i32, i32
  }
  func.func @transform_2(%arg0: i32) -> (i32, i32, i32) {
    %c0_i32 = arith.constant 0 : i32
    %c0_i32_0 = arith.constant 0 : i32
    %c0_i32_1 = arith.constant 0 : i32
    return %c0_i32, %arg0, %c0_i32_0 : i32, i32, i32
  }
  func.func @transform_3(%arg0: i32) -> (i32, i32) {
    %c0_i32 = arith.constant 0 : i32
    %c0_i32_0 = arith.constant 0 : i32
    return %arg0, %c0_i32 : i32, i32
  }
}

module attributes {stable_mosaic.version = 14 : i64} {
  func.func @body(%arg0: i32, %arg1: memref<2x2048x128xf32, #tpu.memory_space<vmem>>, %arg2: memref<2048x1xf32, #tpu.memory_space<vmem>>, %arg3: memref<128x256xf32, #tpu.memory_space<vmem>>, %arg4: memref<1x256xf32, #tpu.memory_space<vmem>>, %arg5: memref<2x2048x128xf32, #tpu.memory_space<vmem>>) attributes {dimension_semantics = [#tpu.dimension_semantics<arbitrary>], iteration_bounds = array<i64: 5>, scalar_prefetch = 0 : i64, scratch_operands = 0 : i64, tpu.core_type = #tpu.core_type<tc>, window_params = [{transform_indices = @transform_0, window_bounds = array<i64: 2, 2048, 128>}, {transform_indices = @transform_1, window_bounds = array<i64: 2048, 1>}, {pipeline_mode = #tpu.pipeline_mode<synchronous>, transform_indices = @transform_2, window_bounds = array<i64: 128, 256>}, {pipeline_mode = #tpu.pipeline_mode<synchronous>, transform_indices = @transform_3, window_bounds = array<i64: 1, 256>}, {transform_indices = @transform_4, window_bounds = array<i64: 2, 2048, 128>}]} {
    %get3A = arith.constant 0 : index
    %get3A_0 = arith.constant 0 : index
    %get3A_1 = arith.constant 0 : index
    %get3A_2 = vector.load %arg1[%get3A, %get3A_0, %get3A_1] : memref<2x2048x128xf32, #tpu.memory_space<vmem>>, vector<1x2048x128xf32>
    %get3A_3 = vector.shape_cast %get3A_2 : vector<1x2048x128xf32> to vector<2048x128xf32>
    %get3A_4 = arith.constant 1 : index
    %get3A_5 = arith.constant 0 : index
    %get3A_6 = arith.constant 0 : index
    %get3A_7 = vector.load %arg1[%get3A_4, %get3A_5, %get3A_6] : memref<2x2048x128xf32, #tpu.memory_space<vmem>>, vector<1x2048x128xf32>
    %get3A_8 = vector.shape_cast %get3A_7 : vector<1x2048x128xf32> to vector<2048x128xf32>
    %add3A = arith.addf %get3A_3, %get3A_8 : vector<2048x128xf32>
    %get3A_9 = arith.constant 0 : index
    %get3A_10 = arith.constant 0 : index
    %get3A_11 = vector.load %arg2[%get3A_9, %get3A_10] : memref<2048x1xf32, #tpu.memory_space<vmem>>, vector<2048x1xf32>
    %mul3A = vector.broadcast %get3A_11 : vector<2048x1xf32> to vector<2048x128xf32>
    %mul3A_12 = arith.mulf %add3A, %mul3A : vector<2048x128xf32>
    %get3A_13 = arith.constant 0 : index
    %get3A_14 = arith.constant 0 : index
    %get3A_15 = vector.load %arg3[%get3A_13, %get3A_14] : memref<128x256xf32, #tpu.memory_space<vmem>>, vector<128x256xf32>
    %dot_general3A = arith.constant dense<0.000000e+00> : vector<2048x256xf32>
    %dot_general3A_16 = tpu.matmul %mul3A_12, %get3A_15, %dot_general3A {dimension_numbers = #tpu.dot_dimension_numbers<[1], [0], [0], [1], [0, 0, 1, 1], [], []>, transpose_lhs_hint = false} : vector<2048x128xf32>, vector<128x256xf32>, vector<2048x256xf32> -> vector<2048x256xf32>
    %get3A_17 = arith.constant 0 : index
    %get3A_18 = arith.constant 0 : index
    %get3A_19 = vector.load %arg4[%get3A_17, %get3A_18] : memref<1x256xf32, #tpu.memory_space<vmem>>, vector<1x256xf32>
    %add3A_20 = vector.broadcast %get3A_19 : vector<1x256xf32> to vector<2048x256xf32>
    %add3A_21 = arith.addf %dot_general3A_16, %add3A_20 : vector<2048x256xf32>
    %max3A = arith.constant 0.000000e+00 : f32
    %max3A_22 = vector.broadcast %max3A : f32 to vector<2048x256xf32>
    %max3A_23 = arith.maximumf %add3A_21, %max3A_22 : vector<2048x256xf32>
    %get3A_24 = arith.constant 0 : index
    %get3A_25 = arith.constant 0 : index
    %get3A_26 = vector.load %arg2[%get3A_24, %get3A_25] : memref<2048x1xf32, #tpu.memory_space<vmem>>, vector<2048x1xf32>
    %mul3A_27 = vector.broadcast %get3A_26 : vector<2048x1xf32> to vector<2048x256xf32>
    %mul3A_28 = arith.mulf %max3A_23, %mul3A_27 : vector<2048x256xf32>
    %slice3A = vector.extract_strided_slice %mul3A_28 {offsets = [0, 0], sizes = [2048, 128], strides = [1, 1]} : vector<2048x256xf32> to vector<2048x128xf32>
    %swap3A = arith.constant 0 : index
    %swap3A_29 = arith.constant 0 : index
    %swap3A_30 = arith.constant 0 : index
    %swap3A_31 = vector.load %arg5[%swap3A, %swap3A_29, %swap3A_30] : memref<2x2048x128xf32, #tpu.memory_space<vmem>>, vector<1x2048x128xf32>
    %swap3A_32 = vector.shape_cast %swap3A_31 : vector<1x2048x128xf32> to vector<2048x128xf32>
    %swap3A_33 = vector.shape_cast %slice3A : vector<2048x128xf32> to vector<1x2048x128xf32>
    tpu.vector_store %arg5[%swap3A, %swap3A_29, %swap3A_30], %swap3A_33 {strides = array<i32>} : memref<2x2048x128xf32, #tpu.memory_space<vmem>>, vector<1x2048x128xf32>,
    %slice3A_34 = vector.extract_strided_slice %mul3A_28 {offsets = [0, 128], sizes = [2048, 128], strides = [1, 1]} : vector<2048x256xf32> to vector<2048x128xf32>
    %swap3A_35 = arith.constant 1 : index
    %swap3A_36 = arith.constant 0 : index
    %swap3A_37 = arith.constant 0 : index
    %swap3A_38 = vector.load %arg5[%swap3A_35, %swap3A_36, %swap3A_37] : memref<2x2048x128xf32, #tpu.memory_space<vmem>>, vector<1x2048x128xf32>
    %swap3A_39 = vector.shape_cast %swap3A_38 : vector<1x2048x128xf32> to vector<2048x128xf32>
    %swap3A_40 = vector.shape_cast %slice3A_34 : vector<2048x128xf32> to vector<1x2048x128xf32>
    tpu.vector_store %arg5[%swap3A_35, %swap3A_36, %swap3A_37], %swap3A_40 {strides = array<i32>} : memref<2x2048x128xf32, #tpu.memory_space<vmem>>, vector<1x2048x128xf32>,
    return
  }
  func.func @transform_0(%arg0: i32) -> (i32, i32, i32) {
    %c0_i32 = arith.constant 0 : i32
    %c0_i32_0 = arith.constant 0 : i32
    %c0_i32_1 = arith.constant 0 : i32
    return %c0_i32, %arg0, %c0_i32_0 : i32, i32, i32
  }
  func.func @transform_1(%arg0: i32) -> (i32, i32) {
    %c0_i32 = arith.constant 0 : i32
    %c0_i32_0 = arith.constant 0 : i32
    return %arg0, %c0_i32 : i32, i32
  }
  func.func @transform_2(%arg0: i32) -> (i32, i32) {
    %c0_i32 = arith.constant 0 : i32
    %c0_i32_0 = arith.constant 0 : i32
    %c0_i32_1 = arith.constant 0 : i32
    return %c0_i32, %c0_i32_0 : i32, i32
  }
  func.func @transform_3(%arg0: i32) -> (i32, i32) {
    %c0_i32 = arith.constant 0 : i32
    %c0_i32_0 = arith.constant 0 : i32
    %c0_i32_1 = arith.constant 0 : i32
    return %c0_i32, %c0_i32_0 : i32, i32
  }
  func.func @transform_4(%arg0: i32) -> (i32, i32, i32) {
    %c0_i32 = arith.constant 0 : i32
    %c0_i32_0 = arith.constant 0 : i32
    %c0_i32_1 = arith.constant 0 : i32
    return %c0_i32, %arg0, %c0_i32_0 : i32, i32, i32
  }
}

module attributes {stable_mosaic.version = 14 : i64} {
  func.func @body(%arg0: i32, %arg1: memref<2x2048x128xf32, #tpu.memory_space<vmem>>, %arg2: memref<2048x1xf32, #tpu.memory_space<vmem>>, %arg3: memref<256x128xf32, #tpu.memory_space<vmem>>, %arg4: memref<1x128xf32, #tpu.memory_space<vmem>>, %arg5: memref<256x128xf32, #tpu.memory_space<vmem>>, %arg6: memref<1x128xf32, #tpu.memory_space<vmem>>, %arg7: memref<2048x128xf32, #tpu.memory_space<vmem>>, %arg8: memref<2048x128xf32, #tpu.memory_space<vmem>>) attributes {dimension_semantics = [#tpu.dimension_semantics<arbitrary>], iteration_bounds = array<i64: 5>, scalar_prefetch = 0 : i64, scratch_operands = 0 : i64, tpu.core_type = #tpu.core_type<tc>, window_params = [{transform_indices = @transform_0, window_bounds = array<i64: 2, 2048, 128>}, {transform_indices = @transform_1, window_bounds = array<i64: 2048, 1>}, {pipeline_mode = #tpu.pipeline_mode<synchronous>, transform_indices = @transform_2, window_bounds = array<i64: 256, 128>}, {pipeline_mode = #tpu.pipeline_mode<synchronous>, transform_indices = @transform_3, window_bounds = array<i64: 1, 128>}, {pipeline_mode = #tpu.pipeline_mode<synchronous>, transform_indices = @transform_4, window_bounds = array<i64: 256, 128>}, {pipeline_mode = #tpu.pipeline_mode<synchronous>, transform_indices = @transform_5, window_bounds = array<i64: 1, 128>}, {transform_indices = @transform_6, window_bounds = array<i64: 2048, 128>}, {transform_indices = @transform_7, window_bounds = array<i64: 2048, 128>}]} {
    %get3A = arith.constant 0 : index
    %get3A_0 = arith.constant 0 : index
    %get3A_1 = arith.constant 0 : index
    %get3A_2 = vector.load %arg1[%get3A, %get3A_0, %get3A_1] : memref<2x2048x128xf32, #tpu.memory_space<vmem>>, vector<1x2048x128xf32>
    %get3A_3 = vector.shape_cast %get3A_2 : vector<1x2048x128xf32> to vector<2048x128xf32>
    %get3A_4 = arith.constant 1 : index
    %get3A_5 = arith.constant 0 : index
    %get3A_6 = arith.constant 0 : index
    %get3A_7 = vector.load %arg1[%get3A_4, %get3A_5, %get3A_6] : memref<2x2048x128xf32, #tpu.memory_space<vmem>>, vector<1x2048x128xf32>
    %get3A_8 = vector.shape_cast %get3A_7 : vector<1x2048x128xf32> to vector<2048x128xf32>
    %concatenate3A = tpu.concatenate %get3A_3, %get3A_8 in 1 : vector<2048x128xf32>, vector<2048x128xf32> -> vector<2048x256xf32>
    %get3A_9 = arith.constant 0 : index
    %get3A_10 = arith.constant 0 : index
    %get3A_11 = vector.load %arg2[%get3A_9, %get3A_10] : memref<2048x1xf32, #tpu.memory_space<vmem>>, vector<2048x1xf32>
    %mul3A = vector.broadcast %get3A_11 : vector<2048x1xf32> to vector<2048x256xf32>
    %mul3A_12 = arith.mulf %concatenate3A, %mul3A : vector<2048x256xf32>
    %get3A_13 = arith.constant 0 : index
    %get3A_14 = arith.constant 0 : index
    %get3A_15 = vector.load %arg3[%get3A_13, %get3A_14] : memref<256x128xf32, #tpu.memory_space<vmem>>, vector<256x128xf32>
    %dot_general3A = arith.constant dense<0.000000e+00> : vector<2048x128xf32>
    %dot_general3A_16 = tpu.matmul %mul3A_12, %get3A_15, %dot_general3A {dimension_numbers = #tpu.dot_dimension_numbers<[1], [0], [0], [1], [0, 0, 1, 1], [], []>, transpose_lhs_hint = false} : vector<2048x256xf32>, vector<256x128xf32>, vector<2048x128xf32> -> vector<2048x128xf32>
    %get3A_17 = arith.constant 0 : index
    %get3A_18 = arith.constant 0 : index
    %get3A_19 = vector.load %arg4[%get3A_17, %get3A_18] : memref<1x128xf32, #tpu.memory_space<vmem>>, vector<1x128xf32>
    %add3A = vector.broadcast %get3A_19 : vector<1x128xf32> to vector<2048x128xf32>
    %add3A_20 = arith.addf %dot_general3A_16, %add3A : vector<2048x128xf32>
    %get3A_21 = arith.constant 0 : index
    %get3A_22 = arith.constant 0 : index
    %get3A_23 = vector.load %arg5[%get3A_21, %get3A_22] : memref<256x128xf32, #tpu.memory_space<vmem>>, vector<256x128xf32>
    %dot_general3A_24 = arith.constant dense<0.000000e+00> : vector<2048x128xf32>
    %dot_general3A_25 = tpu.matmul %mul3A_12, %get3A_23, %dot_general3A_24 {dimension_numbers = #tpu.dot_dimension_numbers<[1], [0], [0], [1], [0, 0, 1, 1], [], []>, transpose_lhs_hint = false} : vector<2048x256xf32>, vector<256x128xf32>, vector<2048x128xf32> -> vector<2048x128xf32>
    %get3A_26 = arith.constant 0 : index
    %get3A_27 = arith.constant 0 : index
    %get3A_28 = vector.load %arg6[%get3A_26, %get3A_27] : memref<1x128xf32, #tpu.memory_space<vmem>>, vector<1x128xf32>
    %add3A_29 = vector.broadcast %get3A_28 : vector<1x128xf32> to vector<2048x128xf32>
    %add3A_30 = arith.addf %dot_general3A_25, %add3A_29 : vector<2048x128xf32>
    %max3A = arith.constant 0.000000e+00 : f32
    %max3A_31 = vector.broadcast %max3A : f32 to vector<2048x128xf32>
    %max3A_32 = arith.maximumf %add3A_20, %max3A_31 : vector<2048x128xf32>
    %swap3A = arith.constant 0 : index
    %swap3A_33 = arith.constant 0 : index
    %swap3A_34 = vector.load %arg7[%swap3A, %swap3A_33] : memref<2048x128xf32, #tpu.memory_space<vmem>>, vector<2048x128xf32>
    tpu.vector_store %arg7[%swap3A, %swap3A_33], %max3A_32 {strides = array<i32>} : memref<2048x128xf32, #tpu.memory_space<vmem>>, vector<2048x128xf32>,
    %max3A_35 = arith.constant 0.000000e+00 : f32
    %max3A_36 = vector.broadcast %max3A_35 : f32 to vector<2048x128xf32>
    %max3A_37 = arith.maximumf %add3A_30, %max3A_36 : vector<2048x128xf32>
    %swap3A_38 = arith.constant 0 : index
    %swap3A_39 = arith.constant 0 : index
    %swap3A_40 = vector.load %arg8[%swap3A_38, %swap3A_39] : memref<2048x128xf32, #tpu.memory_space<vmem>>, vector<2048x128xf32>
    tpu.vector_store %arg8[%swap3A_38, %swap3A_39], %max3A_37 {strides = array<i32>} : memref<2048x128xf32, #tpu.memory_space<vmem>>, vector<2048x128xf32>,
    return
  }
  func.func @transform_0(%arg0: i32) -> (i32, i32, i32) {
    %c0_i32 = arith.constant 0 : i32
    %c0_i32_0 = arith.constant 0 : i32
    %c0_i32_1 = arith.constant 0 : i32
    return %c0_i32, %arg0, %c0_i32_0 : i32, i32, i32
  }
  func.func @transform_1(%arg0: i32) -> (i32, i32) {
    %c0_i32 = arith.constant 0 : i32
    %c0_i32_0 = arith.constant 0 : i32
    return %arg0, %c0_i32 : i32, i32
  }
  func.func @transform_2(%arg0: i32) -> (i32, i32) {
    %c0_i32 = arith.constant 0 : i32
    %c0_i32_0 = arith.constant 0 : i32
    %c0_i32_1 = arith.constant 0 : i32
    return %c0_i32, %c0_i32_0 : i32, i32
  }
  func.func @transform_3(%arg0: i32) -> (i32, i32) {
    %c0_i32 = arith.constant 0 : i32
    %c0_i32_0 = arith.constant 0 : i32
    %c0_i32_1 = arith.constant 0 : i32
    return %c0_i32, %c0_i32_0 : i32, i32
  }
  func.func @transform_4(%arg0: i32) -> (i32, i32) {
    %c0_i32 = arith.constant 0 : i32
    %c0_i32_0 = arith.constant 0 : i32
    %c0_i32_1 = arith.constant 0 : i32
    return %c0_i32, %c0_i32_0 : i32, i32
  }
  func.func @transform_5(%arg0: i32) -> (i32, i32) {
    %c0_i32 = arith.constant 0 : i32
    %c0_i32_0 = arith.constant 0 : i32
    %c0_i32_1 = arith.constant 0 : i32
    return %c0_i32, %c0_i32_0 : i32, i32
  }
  func.func @transform_6(%arg0: i32) -> (i32, i32) {
    %c0_i32 = arith.constant 0 : i32
    %c0_i32_0 = arith.constant 0 : i32
    return %arg0, %c0_i32 : i32, i32
  }
  func.func @transform_7(%arg0: i32) -> (i32, i32) {
    %c0_i32 = arith.constant 0 : i32
    %c0_i32_0 = arith.constant 0 : i32
    return %arg0, %c0_i32 : i32, i32
  }
}

</mosaic_0001>

<sc_bundles>
// kernel: kernel.11.cloned.1.call-start
scs
__scs_entry_jumppad:
0x0: {  	(pc) =	sbr.rel $0x88, $3  }
0x1: {  	(tag) =	ssettag $0x0;
	lr =	simm.s32 $0x1  }
0x2: {  	[smem:$0x3F99] =	sst lr;
	_ =	strace $0xD0000000  }
0x3: {  	_ = 	snop  }
0x4: {  	_ = 	snop  }
0x5: {  	_ = 	snop  }
0x6: {  	_ = 	snop  }
0x7: {  	_ = 	snop  }
__scs_overlays_trampoline_lowered:
0x8: {  	[smem:$0x3FA8] =	sst s0  }
0x9: {  	[smem:$0x3FA9] =	sst s1  }
0xa: {  	[smem:$0x3FAA] =	sst s2  }
0xb: {  	[smem:$0x3FAB] =	sst s3  }
0xc: {  	[smem:$0x3FAC] =	sst s4  }
0xd: {  	[smem:$0x3FAD] =	sst s5  }
0xe: {  	[smem:$0x3FAE] =	sst s6  }
0xf: {  	[smem:$0x3FAF] =	sst s7  }
0x10: {  	[smem:$0x3FB0] =	sst s8  }
0x11: {  	[smem:$0x3FB1] =	sst s9;
	s0 =	simm.s32 @!p0 $0x0  }
0x12: {  	s1 =	sld [smem:$0x3F97];
	s0 =	simm.s32 @p0 $0x1  }
0x13: {  	[smem:$0x3FB2] =	sst s0;
	s0 =	simm.s32 @!p1 $0x0  }
0x14: {  	s2 =	sld [smem:$0x3F96];
	s0 =	simm.s32 @p1 $0x1  }
0x15: {  	[smem:$0x3FB3] =	sst s0;
	s0 =	simm.s32 @!p2 $0x0  }
0x16: {  	s3 =	sld [smem:$0x3FDB];
	s0 =	simm.s32 @p2 $0x1  }
0x17: {  	s4 =	simm.s32 $0x1BF5;
	[smem:$0x3FB5] =	sst s0  }
0x18: {  	s0 =	sld [smem:$0x3F98];
	_ =	swait.ge [sflag:s4], $0x0  }
0x19: {  	s7 =	sld [smem:$0x3F99]  }
0x1a: {  	s8 =	sadd.s32 $0xFFFFE003, lr  }
0x1b: {  	s9 =	sadd.s32 $0xFFFFFEF7, lr;
	s5 =	simm.s32 $0xFFFFFFFF;
	p2 =	slt.u32 s8, $0xFFFFF086  }
0x1c: {  	p1 =	slt.u32 s9, $0xF7A;
	s5 =	simm.s32 @!p2 $0x0  }
0x1d: {  	s5 =	simm.s32 @p1 $0x1;
	p0 =	seq.s32 s7, s2  }
0x1e: {  	s7 =	smul.u32 @!p0 $0xF7A, s2;
	p2 =	seq.s32 @!p0 s5, $0x0  }
0x1f: {  	s9 =	smul.u32 $0xF7A, s1;
	s8 =	simm.s32 @!p0 $0x1BF5;
	p2 =	por !p2, p0  }
0x20: {  	[sflag:s8] =	ssyncset.s32 @!p0 $0xFFFFF086;
	s6 =	sadd.s32 @!p0 s3, s7;
	s7 =	simm.s32 @!p0 $0x108  }
0x21: {  	s3 =	sadd.s32 s3, s9;
	s6 =	sadd.s32 @!p0 $0x88, s6;
	s7 =	simm.s32 @p2 $0x1082  }
0x22: {  	[simem:s7], [sflag:s8] =	dma.local @!p0 [hbm:s6], $0xF7A  }
0x23: {  	s9 =	sor.u32 $0xD0000000, s2;
	s6 =	simm.s32 $0x108;
	_ =	swait.ge @!p0 [sflag:s8], $0x0  }
0x24: {  	s3 =	sadd.s32 $0x88, s3;
	s6 =	simm.s32 @!p1 $0x1082;
	[sflag:s4] =	ssyncset.s32 $0xFFFFF086  }
0x25: {  	[simem:s6], [sflag:s4] =	dma.local [hbm:s3], $0xF7A  }
0x26: {  	[smem:$0x3F99] =	sst s1;
	(tag) =	ssettag s2;
	_ =	strace s9  }
0x27: {  	s1 =	sld [smem:$0x3FA9]  }
0x28: {  	s2 =	sld [smem:$0x3FAA]  }
0x29: {  	s4 =	sld [smem:$0x3FAC]  }
0x2a: {  	p0 =	seq.s32 s5, $0x0;
	s5 =	sld [smem:$0x3FAD]  }
0x2b: {  	s6 =	sld [smem:$0x3FAE]  }
0x2c: {  	s7 =	sld [smem:$0x3FAF]  }
0x2d: {  	s3 =	simm.s32 $0x108;
	s8 =	sld [smem:$0x3FB0]  }
0x2e: {  	s3 =	simm.s32 @!p0 $0x1082;
	s9 =	sld [smem:$0x3FB1]  }
0x2f: {  	lr =	sadd.s32 s0, s3;
	s0 =	sld [smem:$0x3FA8]  }
0x30: {  	s3 =	sld [smem:$0x3FAB]  }
0x31: {  	[smem:$0x3FB4] =	sst s10  }
0x32: {  	s10 =	sld [smem:$0x3FB2];
	_ =	sdelay $0x3  }
0x33: {  	p0 =	seq.s32 s10, $0x1;
	s10 =	sld [smem:$0x3FB4];
	_ =	sdelay $0x3  }
0x34: {  	[smem:$0x3FB4] =	sst s10  }
0x35: {  	s10 =	sld [smem:$0x3FB3];
	_ =	sdelay $0x3  }
0x36: {  	p1 =	seq.s32 s10, $0x1;
	s10 =	sld [smem:$0x3FB4];
	_ =	sdelay $0x3  }
0x37: {  	[smem:$0x3FB4] =	sst s10  }
0x38: {  	s10 =	sld [smem:$0x3FB5]  }
0x39: {  	_ = 	snop;
	(pc) =	sbr.ind lr, $3  }
0x3a: {  	_ = 	snop  }
0x3b: {  	_ = 	snop  }
0x3c: {  	p2 =	seq.s32 s10, $0x1;
	s10 =	sld [smem:$0x3FB4]  }
0x3d: {  	_ =	shalt  }
0x3e: {  	_ =	shalt  }
0x3f: {  	_ =	shalt  }
0x40: {  	_ =	shalt  }
0x41: {  	_ =	shalt  }
0x42: {  	_ =	shalt  }
0x43: {  	_ =	shalt  }
0x44: {  	_ =	shalt  }
0x45: {  	_ =	shalt  }
0x46: {  	_ =	shalt  }
0x47: {  	_ =	shalt  }
0x48: {  	_ =	shalt  }
0x49: {  	_ =	shalt  }
0x4a: {  	_ =	shalt  }
0x4b: {  	_ =	shalt  }
0x4c: {  	_ =	shalt  }
0x4d: {  	_ =	shalt  }
0x4e: {  	_ =	shalt  }
0x4f: {  	_ =	shalt  }
0x50: {  	_ =	shalt  }
0x51: {  	_ =	shalt  }
0x52: {  	_ =	shalt  }
0x53: {  	_ =	shalt  }
0x54: {  	_ =	shalt  }
0x55: {  	_ =	shalt  }
0x56: {  	_ =	shalt  }
0x57: {  	_ =	shalt  }
0x58: {  	_ =	shalt  }
0x59: {  	_ =	shalt  }
0x5a: {  	_ =	shalt  }
0x5b: {  	_ =	shalt  }
0x5c: {  	_ =	shalt  }
0x5d: {  	_ =	shalt  }
0x5e: {  	_ =	shalt  }
0x5f: {  	_ =	shalt  }
0x60: {  	_ =	shalt  }
0x61: {  	_ =	shalt  }
0x62: {  	_ =	shalt  }
0x63: {  	_ =	shalt  }
0x64: {  	_ =	shalt  }
0x65: {  	_ =	shalt  }
0x66: {  	_ =	shalt  }
0x67: {  	_ =	shalt  }
0x68: {  	_ =	shalt  }
0x69: {  	_ =	shalt  }
0x6a: {  	_ =	shalt  }
0x6b: {  	_ =	shalt  }
0x6c: {  	_ =	shalt  }
0x6d: {  	_ =	shalt  }
0x6e: {  	_ =	shalt  }
0x6f: {  	_ =	shalt  }
0x70: {  	_ =	shalt  }
0x71: {  	_ =	shalt  }
0x72: {  	_ =	shalt  }
0x73: {  	_ =	shalt  }
0x74: {  	_ =	shalt  }
0x75: {  	_ =	shalt  }
0x76: {  	_ =	shalt  }
0x77: {  	_ =	shalt  }
0x78: {  	_ =	shalt  }
0x79: {  	_ =	shalt  }
0x7a: {  	_ =	shalt  }
0x7b: {  	_ =	shalt  }
0x7c: {  	_ =	shalt  }
0x7d: {  	_ =	shalt  }
0x7e: {  	_ =	shalt  }
0x7f: {  	_ =	shalt  }
0x80: {  	_ =	shalt  }
0x81: {  	_ =	shalt  }
0x82: {  	_ =	shalt  }
0x83: {  	_ =	shalt  }
0x84: {  	_ =	shalt  }
0x85: {  	_ =	shalt  }
0x86: {  	_ =	shalt  }
0x87: {  	_ =	shalt  }
.Lfunc_end0:
.L_simem_size_0:
called_computation.1_lowered:
.L_overlay_start_0:
0x88: {  	s2 =	sld [smem:$0x3FD9]  }
0x89: {  	s3 =	sld [smem:$0x3FFE];
	_ =	sdelay $0x1  }
0x8a: {  	s1 =	srdreg.scid  }
0x8b: {  	s0 =	sand.u32 $0x1, s1  }
0x8c: {  	s16 =	sshll.u32 s0, $0xA;
	s2 =	sadd.s32 s3, s2  }
0x8d: {  	s2 =	sadd.s32 s2, s16  }
0x8e: {  	[smem:$0x3FC0] =	sst s2  }
0x8f: {  	_ = 	snop  }
0x90: {  	(tm) =	ssettm $0x1  }
0x91: {  	s17 =	sld [smem:$0x3FFB];
	_ =	sdelay $0x3  }
0x92: {  	_ =	strace s17  }
0x93: {  	s2 =	sld [smem:$0x3FFC];
	_ =	sdelay $0x3  }
0x94: {  	_ =	strace s2  }
0x95: {  	s2 =	sld [smem:$0x3FFD];
	_ =	sdelay $0x3  }
0x96: {  	_ =	strace s2  }
0x97: {  	_ =	strace $0x8FFFFFFF  }
0x98: {  	s18 =	sld [smem:$0x3FDB];
	_ =	sdelay $0x1  }
0x99: {  	s19 =	simm.s32 $_scs_section_size  }
0x9a: {  	s4 =	simm.s32 $_size__tile_overlayer_lowered;
	s5 =	simm.s32 $_tile_overlayer_lowered  }
0x9b: {  	s22 =	simm.s32 $0x1BFF;
	s21 =	sshll.u32 s5, $0x1;
	s2 =	sadd.s32 s19, s18  }
0x9c: {  	s6 =	simm.s32 $0x0;
	s20 =	sshll.u32 s4, $0x1;
	s4 =	sadd.s32 s21, s2  }
0x9d: {  	[timem:s6], [sflag:s22] =	dma.local [hbm:s4], s20  }
0x9e: {  	_ =	swait.ge [sflag:s22], s20  }
0x9f: {  	s3 =	ssub.s32 $0x0, s20;
	[sflag:s22] =	ssyncset.done $0x0  }
0xa0: {  	[sflag:s22] =	ssyncadd.s32 s3;
	_ =	sdelay $0x1  }
0xa1: {  	s23 =	simm.s32 $0x1B8B  }
0xa2: {  	_ =	swait.ge [sflag:s23], $0x1  }
0xa3: {  	[sflag:s23] =	ssyncset.done $0x0  }
0xa4: {  	s25 =	simm.s32 $0x1B8E;
	s24 =	sld [smem:$0x3FFE];
	[sflag:s23] =	ssyncadd.s32 $0xFFFFFFFF  }
0xa5: {  	s26 =	simm.s32 $execute0_lowered;
	[smem:$0x3FD2] =	sst s25  }
0xa6: {  	s4 =	sshll.u32 s26, $0x1;
	_ =	strace $0x80000049;
	[dreg:$0x1] =	wrdreg $0xFFFFFFFF  }
0xa7: {  	s28 =	simm.s32 $_size_execute0_lowered;
	s2 =	sadd.s32 s2, s4;
	[dreg:$0x0] =	wrdreg $0x0  }
0xa8: {  	s4 =	sshll.u32 s28, $0x1;
	[dreg:$0x2] =	wrdreg s2  }
0xa9: {  	[dreg:$0x3] =	wrdreg s4  }
0xaa: {  	[dreg:$0x4] =	wrdreg $0xC0  }
0xab: {  	_ =	task [dreg:s6], $0x5FFFF  }
0xac: {  	[dreg:$0x1] =	wrdreg $0xFFFFFFFF  }
0xad: {  	[dreg:$0x0] =	wrdreg $0x60  }
0xae: {  	[dreg:$0x2] =	wrdreg s24  }
0xaf: {  	[dreg:$0x3] =	wrdreg $0x50000  }
0xb0: {  	[dreg:$0x4] =	wrdreg $0x9  }
0xb1: {  	_ =	task.clear_ibuf [dreg:s6], $0x5FFFF;
	_ =	strace $0x90000049  }
0xb2: {  	s29 =	simm.s32 $0x9;
	_ =	strace $0x8000004B  }
0xb3: {  	_ =	swait.ge [sflag:s29], $0x1  }
0xb4: {  	[sflag:s29] =	ssyncadd.s32 $0xFFFFFFFF  }
0xb5: {  	_ =	strace $0x9000004B  }
0xb6: {  	_ =	sfence  }
0xb7: {  	s30 =	sld [smem:$0x0];
	_ =	sdelay $0x2  }
0xb8: {  	s31 =	sshll.u32 s1, $0xD;
	s1 =	sshrl.u32 s1, $0x2  }
0xb9: {  	s3 =	sand.u32 $0x4000, s31;
	s1 =	sadd.s32 s1, s30  }
0xba: {  	s0 =	sor.u32 s3, s0;
	s1 =	sshll.u32 s1, $0x11  }
0xbb: {  	s0 =	sor.u32 s1, s0  }
0xbc: {  	s0 =	sadd.s32 $0x8F2B, s0  }
0xbd: {  	[sflag:s0] =	ssyncadd.remote.s32 $0x1  }
0xbe: {  	_ =	sfence.sel $0xFFFF  }
0xbf: {  	[dreg:$0x0] =	wrdreg $0xFFFFFFFF;
	(pc) =	sbr.abs _section_cstart, $3  }
0xc0: {  	[dreg:$0x1] =	wrdreg $0xFFFFFFFF  }
0xc1: {  	_ =	task.clear_ibuf [dreg:s6], $0x2FFFF;
	_ =	strace $0x9FFFFFFF  }
0xc2: {  	(tm) =	ssettm $0x7FFFFFFF  }
0xc3: {  	_ =	shalt  }
tec
execute0_lowered:
.L_overlay_start_1:
0x0: {  	(tag) =	ssettag $0x1  }
0x1: {  	s7 =	rddreg [dreg:$0x0]  }
0x2: {  	s1 =	rddreg [dreg:$0x1]  }
0x3: {  	s2 =	srdreg.scid;
	s0 =	rddreg [dreg:$0x2]  }
0x4: {  	s3 =	simm.s32 $0x0;
	s14 =	simm.s32 $0x800;
	s6 =	sand.u32 $0x1, s2  }
0x5: {  	s15 =	simm.s32 $0x80;
	s2 =	stileid.u32;
	s8 =	smul.u32 $0x140000, s6  }
0x6: {  	s16 =	simm.s32 $0x1000;
	s17 =	simm.s32 $0x1;
	s9 =	smul.u32 $0x14000, s2  }
0x7: {  	[smem:$0x7FF] =	sst s3;
	s4 =	sadd.s32 $0x16200, s7;
	s10 =	smul.u32 $0x50000, s2  }
0x8: {  	s5 =	sadd.s32 $0x2200, s7;
	_ =	strace $0x8000004A;
	s26 =	smul.u32 $0x28000, s6  }
0x9: {  	s11 =	ssub.s32 $0x2, s6;
	s12 =	smul.u32 $0x2800, s2;
	s6 =	sadd.s32 $0xC200, s7  }
0xa: {  	s31 =	sshll.u32 s2, $0x6;
	s28 =	sshrl.u32 s11, $0x1;
	s8 =	sadd.s32 s9, s8  }
0xb: {  	s11 =	ssub.s32 s11, s28;
	s29 =	sshrl.u32 s10, $0x2;
	s9 =	sor.u32 $0x1C02, s31  }
0xc: {  	s8 =	sshrl.u32 s8, $0x3;
	s30 =	sadd.s32 s29, s1;
	s11 =	smax.u32 s11, $0x1  }
0xd: {  	s13 =	sadd.s32 s8, s7;
	s7 =	sadd.s32 s12, s26;
	s12 =	sshrl.u32 s30, $0x3  }
0xe: {  	s8 =	sadd.s32 s4, s7;
	s10 =	sadd.s32 $0x66200, s13;
	s13 =	simm.s32 $0x2  }
.LBB2_1:
0xf: {  	[spmem:s12], [sflag:s9] =	dma.local [hbm:s8], $0x2800  }
0x10: {  	_ =	swait.ge [sflag:s13], $0x2800  }
0x11: {  	[sflag:s13] =	ssyncset.done $0x0  }
0x12: {  	[sflag:s13] =	ssyncadd.s32 $0xFFFFD800  }
0x13: {  	s18 =	simm.s32 $0x0;
	[bflag:$0x0] =	sbarrier.arrive $0xFFFF  }
.LBB2_2:
0x14: {  	s19 =	sshll.u32 s18, $0xB  }
0x15: {  	s19 =	sadd.s32 s19, s7  }
0x16: {  	s19 =	sshrl.u32 s19, $0x3  }
0x17: {  	s21 =	simm.s32 $0x0;
	s20 =	sadd.s32 s5, s19  }
0x18: {  	[tilespmem:s21], [sflag:$0x2] =	stream.linear.gather [hbm4b:s20+s21], $0x800, $0x38;
	[tilespmem:$0x19000] =	vst v63  }
0x19: {  	_ =	swait.ge [sflag:s13], $0x800  }
0x1a: {  	[sflag:s13] =	ssyncset.done $0x0  }
0x1b: {  	s19 =	sadd.s32 s6, s19;
	[sflag:s13] =	ssyncadd.s32 $0xFFFFF800  }
0x1c: {  	[tilespmem:s14], [sflag:$0x2] =	stream.linear.gather [hbm4b:s19+s21], $0x800, $0x38;
	[tilespmem:$0x19000] =	vst v63  }
0x1d: {  	_ =	swait.ge [sflag:s13], $0x800  }
0x1e: {  	[sflag:s13] =	ssyncset.done $0x0  }
0x1f: {  	s30 =	simm.s32 $0x0;
	[sflag:s13] =	ssyncadd.s32 $0xFFFFF800  }
0x20: {  	[tilespmem:s16], [sflag:$0x1] =	stream.indirect.gather [hbm4b:s4+s15], $0x80, s30, s15, $0xb8;
	[tilespmem:$0x19000] =	vst v63  }
0x21: {  	_ =	swait.ge [sflag:s17], $0x4000  }
0x22: {  	[sflag:s17] =	ssyncset.done $0x0  }
0x23: {  	s31 =	simm.s32 $0x800;
	[sflag:s17] =	ssyncadd.s32 $0xFFFFC000  }
0x24: {  	[spmem:s1] =	stream.indirect.scatter.add.f32 [tilespmem:s16], [sflag:$0x2], $0x80, s31, s15, $0xb8;
	[tilespmem:$0x19000] =	vst v63  }
0x25: {  	_ =	swait.ge [sflag:s13], $0x4000  }
0x26: {  	s20 =	simm.s32 $0x400;
	s19 =	simm.s32 $0x200;
	[sflag:s13] =	ssyncset.done $0x0  }
.LBB2_3:
0x27: {  	s21 =	sshra.s32 s19, $0x2  }
0x28: {  	[sflag:s13] =	ssyncadd.s32 $0xFFFFC000;
	s19 =	smov.u32 s20;
	s22 =	sadd.s32 $0x200, s20  }
0x29: {  	[tilespmem:s16], [sflag:$0x1] =	stream.indirect.gather [hbm4b:s4+s15], $0x80, s21, s15, $0xb8;
	[tilespmem:$0x19000] =	vst v63  }
0x2a: {  	p0 =	sne.s32 s20, $0x1E00;
	_ =	swait.ge [sflag:s17], $0x4000  }
.Ltmp0:
0x2b: {  	[sflag:s17] =	ssyncset.done $0x0;
	(pc) =	sbr.rel @p0 .LBB2_3-.Ltmp0, $4  }
0x2c: {  	s20 =	sadd.s32 $0x800, s21;
	[sflag:s17] =	ssyncadd.s32 $0xFFFFC000  }
0x2d: {  	[spmem:s1] =	stream.indirect.scatter.add.f32 [tilespmem:s16], [sflag:$0x2], $0x80, s20, s15, $0xb8;
	[tilespmem:$0x19000] =	vst v63  }
0x2e: {  	_ =	swait.ge [sflag:s13], $0x4000  }
0x2f: {  	s20 =	smov.u32 s22;
	[sflag:s13] =	ssyncset.done $0x0  }
0x30: {  	s19 =	sshra.s32 s19, $0x2;
	[sflag:s13] =	ssyncadd.s32 $0xFFFFC000  }
0x31: {  	[tilespmem:s16], [sflag:$0x1] =	stream.indirect.gather [hbm4b:s4+s15], $0x80, s19, s15, $0xb8;
	[tilespmem:$0x19000] =	vst v63  }
0x32: {  	s18 =	sadd.s32 $0x1, s18;
	_ =	swait.ge [sflag:s17], $0x4000  }
0x33: {  	p0 =	sne.s32 s18, $0x5;
	[sflag:s17] =	ssyncset.done $0x0  }
.Ltmp1:
0x34: {  	s19 =	sadd.s32 $0x800, s19;
	[sflag:s17] =	ssyncadd.s32 $0xFFFFC000;
	(pc) =	sbr.rel @p0 .LBB2_2-.Ltmp1, $4  }
0x35: {  	[spmem:s1] =	stream.indirect.scatter.add.f32 [tilespmem:s16], [sflag:$0x2], $0x80, s19, s15, $0xb8;
	[tilespmem:$0x19000] =	vst v63  }
0x36: {  	_ =	swait.ge [sflag:s13], $0x4000  }
0x37: {  	[sflag:s13] =	ssyncset.done $0x0  }
0x38: {  	[sflag:s13] =	ssyncadd.s32 $0xFFFFC000  }
0x39: {  	s3 =	sadd.s32 $0x1, s3  }
0x3a: {  	p0 =	sne.s32 s3, s11  }
.Ltmp2:
0x3b: {  	[bflag:$0x0] =	sbarrier.arrive $0xFFFF;
	(pc) =	sbr.rel @p0 .LBB2_1-.Ltmp2, $4  }
0x3c: {  	[hbm:s10], [sflag:s9] =	dma.local [spmem:s12], $0x2800  }
0x3d: {  	_ =	swait.ge [sflag:s13], $0x2800  }
0x3e: {  	[sflag:s13] =	ssyncset.done $0x0  }
0x3f: {  	[sflag:s13] =	ssyncadd.s32 $0xFFFFD800  }
0x40: {  	_ =	sfence.sel $0x180000  }
0x41: {  	[bflag:$0x0] =	sbarrier.arrive $0xFFFF  }
0x42: {  	p0 =	sne.s32 s2, $0x0;
	_ =	strace $0x9000004A  }
0x43: {  	s0 =	sadd.s32 @!p0 $0x100000, s0;
	[bflag:$0x2] =	sbarrier.arrive $0xFFFF  }
0x44: {  	[sflag:s0] =	ssyncadd.tile.s32 @!p0 $0x1;
	_ =	shalt  }
.Lfunc_end2:
_tile_overlayer_lowered:
.L_overlay_start_2:
0x45: {  	(tag) =	ssettag $0x2  }
0x46: {  	s0 =	rddreg [dreg:$0x0];
	s2 =	stileid.u32  }
0x47: {  	s1 =	rddreg [dreg:$0x1];
	p0 =	sne.s32 s2, $0x0  }
0x48: {  	s3 =	rddreg [dreg:$0x2];
	[bflag:$0x3] =	sbarrier.arrive $0xFFFF;
	s2 =	simm.s32 @!p0 $0x1C02  }
0x49: {  	[timem:s3], [sflag:s2] =	dma.local @!p0 [hbm:s0], s1  }
0x4a: {  	s0 =	simm.s32 @!p0 $0x2  }
0x4b: {  	_ =	swait.ge @!p0 [sflag:s0], s1  }
0x4c: {  	s1 =	ssub.s32 @!p0 $0x0, s1;
	[sflag:s0] =	ssyncset.done @!p0 $0x0  }
0x4d: {  	[sflag:s0] =	ssyncadd.s32 @!p0 s1  }
0x4e: {  	[bflag:$0x3] =	sbarrier.arrive $0xFFFF  }
0x4f: {  	_ =	shalt  }

// kernel: kernel.14.cloned.1.call-start
scs
__scs_entry_jumppad:
0x0: {  	(pc) =	sbr.rel $0x88, $3  }
0x1: {  	(tag) =	ssettag $0x0;
	lr =	simm.s32 $0x1  }
0x2: {  	[smem:$0x3F99] =	sst lr;
	_ =	strace $0xD0000000  }
0x3: {  	_ = 	snop  }
0x4: {  	_ = 	snop  }
0x5: {  	_ = 	snop  }
0x6: {  	_ = 	snop  }
0x7: {  	_ = 	snop  }
__scs_overlays_trampoline_lowered:
0x8: {  	[smem:$0x3FA8] =	sst s0  }
0x9: {  	[smem:$0x3FA9] =	sst s1  }
0xa: {  	[smem:$0x3FAA] =	sst s2  }
0xb: {  	[smem:$0x3FAB] =	sst s3  }
0xc: {  	[smem:$0x3FAC] =	sst s4  }
0xd: {  	[smem:$0x3FAD] =	sst s5  }
0xe: {  	[smem:$0x3FAE] =	sst s6  }
0xf: {  	[smem:$0x3FAF] =	sst s7  }
0x10: {  	[smem:$0x3FB0] =	sst s8  }
0x11: {  	[smem:$0x3FB1] =	sst s9;
	s0 =	simm.s32 @!p0 $0x0  }
0x12: {  	s1 =	sld [smem:$0x3F97];
	s0 =	simm.s32 @p0 $0x1  }
0x13: {  	[smem:$0x3FB2] =	sst s0;
	s0 =	simm.s32 @!p1 $0x0  }
0x14: {  	s2 =	sld [smem:$0x3F96];
	s0 =	simm.s32 @p1 $0x1  }
0x15: {  	[smem:$0x3FB3] =	sst s0;
	s0 =	simm.s32 @!p2 $0x0  }
0x16: {  	s3 =	sld [smem:$0x3FDB];
	s0 =	simm.s32 @p2 $0x1  }
0x17: {  	s4 =	simm.s32 $0x1BF5;
	[smem:$0x3FB5] =	sst s0  }
0x18: {  	s0 =	sld [smem:$0x3F98];
	_ =	swait.ge [sflag:s4], $0x0  }
0x19: {  	s7 =	sld [smem:$0x3F99]  }
0x1a: {  	s8 =	sadd.s32 $0xFFFFE003, lr  }
0x1b: {  	s9 =	sadd.s32 $0xFFFFFEF7, lr;
	s5 =	simm.s32 $0xFFFFFFFF;
	p2 =	slt.u32 s8, $0xFFFFF086  }
0x1c: {  	p1 =	slt.u32 s9, $0xF7A;
	s5 =	simm.s32 @!p2 $0x0  }
0x1d: {  	s5 =	simm.s32 @p1 $0x1;
	p0 =	seq.s32 s7, s2  }
0x1e: {  	s7 =	smul.u32 @!p0 $0xF7A, s2;
	p2 =	seq.s32 @!p0 s5, $0x0  }
0x1f: {  	s9 =	smul.u32 $0xF7A, s1;
	s8 =	simm.s32 @!p0 $0x1BF5;
	p2 =	por !p2, p0  }
0x20: {  	[sflag:s8] =	ssyncset.s32 @!p0 $0xFFFFF086;
	s6 =	sadd.s32 @!p0 s3, s7;
	s7 =	simm.s32 @!p0 $0x108  }
0x21: {  	s3 =	sadd.s32 s3, s9;
	s6 =	sadd.s32 @!p0 $0x88, s6;
	s7 =	simm.s32 @p2 $0x1082  }
0x22: {  	[simem:s7], [sflag:s8] =	dma.local @!p0 [hbm:s6], $0xF7A  }
0x23: {  	s9 =	sor.u32 $0xD0000000, s2;
	s6 =	simm.s32 $0x108;
	_ =	swait.ge @!p0 [sflag:s8], $0x0  }
0x24: {  	s3 =	sadd.s32 $0x88, s3;
	s6 =	simm.s32 @!p1 $0x1082;
	[sflag:s4] =	ssyncset.s32 $0xFFFFF086  }
0x25: {  	[simem:s6], [sflag:s4] =	dma.local [hbm:s3], $0xF7A  }
0x26: {  	[smem:$0x3F99] =	sst s1;
	(tag) =	ssettag s2;
	_ =	strace s9  }
0x27: {  	s1 =	sld [smem:$0x3FA9]  }
0x28: {  	s2 =	sld [smem:$0x3FAA]  }
0x29: {  	s4 =	sld [smem:$0x3FAC]  }
0x2a: {  	p0 =	seq.s32 s5, $0x0;
	s5 =	sld [smem:$0x3FAD]  }
0x2b: {  	s6 =	sld [smem:$0x3FAE]  }
0x2c: {  	s7 =	sld [smem:$0x3FAF]  }
0x2d: {  	s3 =	simm.s32 $0x108;
	s8 =	sld [smem:$0x3FB0]  }
0x2e: {  	s3 =	simm.s32 @!p0 $0x1082;
	s9 =	sld [smem:$0x3FB1]  }
0x2f: {  	lr =	sadd.s32 s0, s3;
	s0 =	sld [smem:$0x3FA8]  }
0x30: {  	s3 =	sld [smem:$0x3FAB]  }
0x31: {  	[smem:$0x3FB4] =	sst s10  }
0x32: {  	s10 =	sld [smem:$0x3FB2];
	_ =	sdelay $0x3  }
0x33: {  	p0 =	seq.s32 s10, $0x1;
	s10 =	sld [smem:$0x3FB4];
	_ =	sdelay $0x3  }
0x34: {  	[smem:$0x3FB4] =	sst s10  }
0x35: {  	s10 =	sld [smem:$0x3FB3];
	_ =	sdelay $0x3  }
0x36: {  	p1 =	seq.s32 s10, $0x1;
	s10 =	sld [smem:$0x3FB4];
	_ =	sdelay $0x3  }
0x37: {  	[smem:$0x3FB4] =	sst s10  }
0x38: {  	s10 =	sld [smem:$0x3FB5]  }
0x39: {  	_ = 	snop;
	(pc) =	sbr.ind lr, $3  }
0x3a: {  	_ = 	snop  }
0x3b: {  	_ = 	snop  }
0x3c: {  	p2 =	seq.s32 s10, $0x1;
	s10 =	sld [smem:$0x3FB4]  }
0x3d: {  	_ =	shalt  }
0x3e: {  	_ =	shalt  }
0x3f: {  	_ =	shalt  }
0x40: {  	_ =	shalt  }
0x41: {  	_ =	shalt  }
0x42: {  	_ =	shalt  }
0x43: {  	_ =	shalt  }
0x44: {  	_ =	shalt  }
0x45: {  	_ =	shalt  }
0x46: {  	_ =	shalt  }
0x47: {  	_ =	shalt  }
0x48: {  	_ =	shalt  }
0x49: {  	_ =	shalt  }
0x4a: {  	_ =	shalt  }
0x4b: {  	_ =	shalt  }
0x4c: {  	_ =	shalt  }
0x4d: {  	_ =	shalt  }
0x4e: {  	_ =	shalt  }
0x4f: {  	_ =	shalt  }
0x50: {  	_ =	shalt  }
0x51: {  	_ =	shalt  }
0x52: {  	_ =	shalt  }
0x53: {  	_ =	shalt  }
0x54: {  	_ =	shalt  }
0x55: {  	_ =	shalt  }
0x56: {  	_ =	shalt  }
0x57: {  	_ =	shalt  }
0x58: {  	_ =	shalt  }
0x59: {  	_ =	shalt  }
0x5a: {  	_ =	shalt  }
0x5b: {  	_ =	shalt  }
0x5c: {  	_ =	shalt  }
0x5d: {  	_ =	shalt  }
0x5e: {  	_ =	shalt  }
0x5f: {  	_ =	shalt  }
0x60: {  	_ =	shalt  }
0x61: {  	_ =	shalt  }
0x62: {  	_ =	shalt  }
0x63: {  	_ =	shalt  }
0x64: {  	_ =	shalt  }
0x65: {  	_ =	shalt  }
0x66: {  	_ =	shalt  }
0x67: {  	_ =	shalt  }
0x68: {  	_ =	shalt  }
0x69: {  	_ =	shalt  }
0x6a: {  	_ =	shalt  }
0x6b: {  	_ =	shalt  }
0x6c: {  	_ =	shalt  }
0x6d: {  	_ =	shalt  }
0x6e: {  	_ =	shalt  }
0x6f: {  	_ =	shalt  }
0x70: {  	_ =	shalt  }
0x71: {  	_ =	shalt  }
0x72: {  	_ =	shalt  }
0x73: {  	_ =	shalt  }
0x74: {  	_ =	shalt  }
0x75: {  	_ =	shalt  }
0x76: {  	_ =	shalt  }
0x77: {  	_ =	shalt  }
0x78: {  	_ =	shalt  }
0x79: {  	_ =	shalt  }
0x7a: {  	_ =	shalt  }
0x7b: {  	_ =	shalt  }
0x7c: {  	_ =	shalt  }
0x7d: {  	_ =	shalt  }
0x7e: {  	_ =	shalt  }
0x7f: {  	_ =	shalt  }
0x80: {  	_ =	shalt  }
0x81: {  	_ =	shalt  }
0x82: {  	_ =	shalt  }
0x83: {  	_ =	shalt  }
0x84: {  	_ =	shalt  }
0x85: {  	_ =	shalt  }
0x86: {  	_ =	shalt  }
0x87: {  	_ =	shalt  }
.Lfunc_end0:
.L_simem_size_0:
called_computation.2_lowered:
.L_overlay_start_0:
0x88: {  	s2 =	sld [smem:$0x3FD9]  }
0x89: {  	s3 =	sld [smem:$0x3FFE];
	_ =	sdelay $0x1  }
0x8a: {  	s1 =	srdreg.scid  }
0x8b: {  	s0 =	sand.u32 $0x1, s1  }
0x8c: {  	s14 =	sshll.u32 s0, $0xA;
	s2 =	sadd.s32 s3, s2  }
0x8d: {  	s2 =	sadd.s32 s2, s14  }
0x8e: {  	[smem:$0x3FC0] =	sst s2  }
0x8f: {  	_ = 	snop  }
0x90: {  	s2 =	sld [smem:$0x3FD0];
	_ =	sdelay $0x2  }
0x91: {  	s15 =	simm.s32 $0xA;
	s4 =	simm.s32 $0x10  }
0x92: {  	[smem:s4], [sflag:s15] =	dma.local [hbm:s2], $0x1  }
0x93: {  	_ =	swait.eq [sflag:s15], $0x1  }
0x94: {  	[sflag:s15] =	ssyncset.done $0x0  }
0x95: {  	s16 =	sld [smem:$0x10];
	[sflag:s15] =	ssyncadd.s32 $0xFFFFFFFF  }
0x96: {  	s17 =	sld [smem:$0x11];
	(tm) =	ssettm $0x1  }
0x97: {  	s18 =	sld [smem:$0x3FFB];
	_ =	sdelay $0x3  }
0x98: {  	_ =	strace s18  }
0x99: {  	s4 =	sld [smem:$0x3FFC];
	_ =	sdelay $0x3  }
0x9a: {  	_ =	strace s4  }
0x9b: {  	s4 =	sld [smem:$0x3FFD];
	_ =	sdelay $0x3  }
0x9c: {  	_ =	strace s4  }
0x9d: {  	_ =	strace $0x8FFFFFFF  }
0x9e: {  	s19 =	sld [smem:$0x3FDB];
	_ =	sdelay $0x1  }
0x9f: {  	s5 =	simm.s32 $_scs_section_size  }
0xa0: {  	s6 =	simm.s32 $_size__tile_overlayer_lowered;
	s7 =	simm.s32 $_tile_overlayer_lowered  }
0xa1: {  	s22 =	simm.s32 $0x1BFF;
	s21 =	sshll.u32 s7, $0x1;
	s4 =	sadd.s32 s5, s19  }
0xa2: {  	s8 =	simm.s32 $0x0;
	s20 =	sshll.u32 s6, $0x1;
	s6 =	sadd.s32 s21, s4  }
0xa3: {  	[timem:s8], [sflag:s22] =	dma.local [hbm:s6], s20  }
0xa4: {  	_ =	swait.ge [sflag:s22], s20  }
0xa5: {  	s5 =	ssub.s32 $0x0, s20;
	[sflag:s22] =	ssyncset.done $0x0  }
0xa6: {  	[sflag:s22] =	ssyncadd.s32 s5;
	_ =	sdelay $0x1  }
0xa7: {  	s23 =	simm.s32 $0x1B8B  }
0xa8: {  	_ =	swait.ge [sflag:s23], $0x1  }
0xa9: {  	[sflag:s23] =	ssyncset.done $0x0  }
0xaa: {  	s25 =	simm.s32 $0x1B8E;
	s24 =	sld [smem:$0x3FFE];
	[sflag:s23] =	ssyncadd.s32 $0xFFFFFFFF  }
0xab: {  	s26 =	simm.s32 $execute0_lowered;
	[smem:$0x3FD2] =	sst s25  }
0xac: {  	s6 =	sshll.u32 s26, $0x1;
	_ =	strace $0x8000004C;
	[dreg:$0x1] =	wrdreg $0xFFFFFFFF  }
0xad: {  	s28 =	simm.s32 $_size_execute0_lowered;
	s4 =	sadd.s32 s4, s6;
	[dreg:$0x0] =	wrdreg $0x0  }
0xae: {  	s6 =	sshll.u32 s28, $0x1;
	[dreg:$0x2] =	wrdreg s4  }
0xaf: {  	[dreg:$0x3] =	wrdreg s6  }
0xb0: {  	[dreg:$0x4] =	wrdreg $0xC0  }
0xb1: {  	_ =	task [dreg:s8], $0x5FFFF  }
0xb2: {  	[dreg:$0x1] =	wrdreg $0xFFFFFFFF  }
0xb3: {  	[dreg:$0x0] =	wrdreg $0x60  }
0xb4: {  	[dreg:$0x2] =	wrdreg s24  }
0xb5: {  	[dreg:$0x3] =	wrdreg s17  }
0xb6: {  	[dreg:$0x4] =	wrdreg s16  }
0xb7: {  	[dreg:$0x5] =	wrdreg $0x50000  }
0xb8: {  	[dreg:$0x6] =	wrdreg $0x9  }
0xb9: {  	_ =	task.clear_ibuf [dreg:s8], $0x7FFFF;
	_ =	strace $0x9000004C  }
0xba: {  	s29 =	simm.s32 $0x9;
	_ =	strace $0x8000004E  }
0xbb: {  	_ =	swait.ge [sflag:s29], $0x1  }
0xbc: {  	[sflag:s29] =	ssyncadd.s32 $0xFFFFFFFF  }
0xbd: {  	_ =	strace $0x9000004E  }
0xbe: {  	_ =	sfence  }
0xbf: {  	s30 =	sld [smem:$0x0];
	_ =	sdelay $0x2  }
0xc0: {  	s31 =	sshll.u32 s1, $0xD;
	s1 =	sshrl.u32 s1, $0x2  }
0xc1: {  	s3 =	sand.u32 $0x4000, s31;
	s1 =	sadd.s32 s1, s30  }
0xc2: {  	s0 =	sor.u32 s3, s0;
	s1 =	sshll.u32 s1, $0x11  }
0xc3: {  	s0 =	sor.u32 s1, s0  }
0xc4: {  	s0 =	sadd.s32 $0x8F2B, s0  }
0xc5: {  	[sflag:s0] =	ssyncadd.remote.s32 $0x1  }
0xc6: {  	_ =	sfence.sel $0xFFFF  }
0xc7: {  	[dreg:$0x0] =	wrdreg $0xFFFFFFFF;
	(pc) =	sbr.abs _section_cstart, $3  }
0xc8: {  	[dreg:$0x1] =	wrdreg $0xFFFFFFFF  }
0xc9: {  	_ =	task.clear_ibuf [dreg:s8], $0x2FFFF;
	_ =	strace $0x9FFFFFFF  }
0xca: {  	(tm) =	ssettm $0x7FFFFFFF  }
0xcb: {  	_ =	shalt  }
tec
execute0_lowered:
.L_overlay_start_1:
0x0: {  	(tag) =	ssettag $0x1  }
0x1: {  	s7 =	rddreg [dreg:$0x0]  }
0x2: {  	s1 =	rddreg [dreg:$0x1]  }
0x3: {  	s2 =	rddreg [dreg:$0x2];
	s4 =	srdreg.scid  }
0x4: {  	s3 =	rddreg [dreg:$0x3];
	s8 =	sand.u32 $0x1, s4  }
0x5: {  	s4 =	stileid.u32;
	s9 =	smul.u32 $0x140000, s8  }
0x6: {  	s0 =	rddreg [dreg:$0x4];
	s10 =	smul.u32 $0x14000, s4  }
0x7: {  	s5 =	simm.s32 $0x0;
	s15 =	simm.s32 $0x80;
	s23 =	smul.u32 $0x50000, s4  }
0x8: {  	s16 =	simm.s32 $0x1000;
	s17 =	simm.s32 $0x1;
	s12 =	smul.u32 $0x28000, s8  }
0x9: {  	[smem:$0x7FF] =	sst s5;
	s6 =	sadd.s32 $0x2200, s7;
	s25 =	smul.u32 $0x2800, s4  }
0xa: {  	_ =	strace $0x8000004D;
	s11 =	ssub.s32 $0x2, s8;
	s28 =	smul.u32 $0x50000, s8  }
0xb: {  	s30 =	sshll.u32 s4, $0x6;
	s31 =	smul.u32 $0x5000, s4;
	s24 =	sshrl.u32 s11, $0x1  }
0xc: {  	s8 =	sor.u32 $0x1C02, s30;
	s9 =	sadd.s32 s10, s9;
	s11 =	ssub.s32 s11, s24  }
0xd: {  	s26 =	sshrl.u32 s23, $0x2;
	s29 =	sadd.s32 s25, s12;
	s9 =	sshrl.u32 s9, $0x3  }
0xe: {  	s14 =	sadd.s32 s26, s3;
	s11 =	smax.u32 s11, $0x1;
	s13 =	sadd.s32 s9, s7  }
0xf: {  	s7 =	sadd.s32 s6, s29;
	s9 =	sadd.s32 s31, s28;
	s12 =	sshrl.u32 s14, $0x3  }
0x10: {  	s14 =	simm.s32 $0x800;
	s10 =	sadd.s32 $0x52200, s13;
	s13 =	simm.s32 $0x2  }
.LBB2_1:
0x11: {  	[spmem:s12], [sflag:s8] =	dma.local [hbm:s7], $0x2800  }
0x12: {  	_ =	swait.ge [sflag:s13], $0x2800  }
0x13: {  	[sflag:s13] =	ssyncset.done $0x0  }
0x14: {  	[sflag:s13] =	ssyncadd.s32 $0xFFFFD800  }
0x15: {  	s18 =	simm.s32 $0x0;
	[bflag:$0x0] =	sbarrier.arrive $0xFFFF  }
.LBB2_2:
0x16: {  	s19 =	sshll.u32 s18, $0xB  }
0x17: {  	s19 =	sadd.s32 s19, s9  }
0x18: {  	s19 =	sshrl.u32 s19, $0x3  }
0x19: {  	s21 =	simm.s32 $0x0;
	s20 =	sadd.s32 s1, s19  }
0x1a: {  	[tilespmem:s21], [sflag:$0x2] =	stream.linear.gather [hbm4b:s20+s21], $0x800, $0x38;
	[tilespmem:$0x19000] =	vst v63  }
0x1b: {  	_ =	swait.ge [sflag:s13], $0x800  }
0x1c: {  	[sflag:s13] =	ssyncset.done $0x0  }
0x1d: {  	s19 =	sadd.s32 s2, s19;
	[sflag:s13] =	ssyncadd.s32 $0xFFFFF800  }
0x1e: {  	[tilespmem:s14], [sflag:$0x2] =	stream.linear.gather [hbm4b:s19+s21], $0x800, $0x38;
	[tilespmem:$0x19000] =	vst v63  }
0x1f: {  	_ =	swait.ge [sflag:s13], $0x800  }
0x20: {  	[sflag:s13] =	ssyncset.done $0x0  }
0x21: {  	s30 =	simm.s32 $0x0;
	[sflag:s13] =	ssyncadd.s32 $0xFFFFF800  }
0x22: {  	[tilespmem:s16], [sflag:$0x1] =	stream.indirect.gather [hbm4b:s6+s15], $0x80, s30, s15, $0xb8;
	[tilespmem:$0x19000] =	vst v63  }
0x23: {  	_ =	swait.ge [sflag:s17], $0x4000  }
0x24: {  	[sflag:s17] =	ssyncset.done $0x0  }
0x25: {  	s31 =	simm.s32 $0x800;
	[sflag:s17] =	ssyncadd.s32 $0xFFFFC000  }
0x26: {  	[spmem:s3] =	stream.indirect.scatter.add.f32 [tilespmem:s16], [sflag:$0x2], $0x80, s31, s15, $0xb8;
	[tilespmem:$0x19000] =	vst v63  }
0x27: {  	_ =	swait.ge [sflag:s13], $0x4000  }
0x28: {  	s20 =	simm.s32 $0x400;
	s19 =	simm.s32 $0x200;
	[sflag:s13] =	ssyncset.done $0x0  }
.LBB2_3:
0x29: {  	s21 =	sshra.s32 s19, $0x2  }
0x2a: {  	[sflag:s13] =	ssyncadd.s32 $0xFFFFC000;
	s19 =	smov.u32 s20;
	s22 =	sadd.s32 $0x200, s20  }
0x2b: {  	[tilespmem:s16], [sflag:$0x1] =	stream.indirect.gather [hbm4b:s6+s15], $0x80, s21, s15, $0xb8;
	[tilespmem:$0x19000] =	vst v63  }
0x2c: {  	p0 =	sne.s32 s20, $0x1E00;
	_ =	swait.ge [sflag:s17], $0x4000  }
.Ltmp0:
0x2d: {  	[sflag:s17] =	ssyncset.done $0x0;
	(pc) =	sbr.rel @p0 .LBB2_3-.Ltmp0, $4  }
0x2e: {  	s20 =	sadd.s32 $0x800, s21;
	[sflag:s17] =	ssyncadd.s32 $0xFFFFC000  }
0x2f: {  	[spmem:s3] =	stream.indirect.scatter.add.f32 [tilespmem:s16], [sflag:$0x2], $0x80, s20, s15, $0xb8;
	[tilespmem:$0x19000] =	vst v63  }
0x30: {  	_ =	swait.ge [sflag:s13], $0x4000  }
0x31: {  	s20 =	smov.u32 s22;
	[sflag:s13] =	ssyncset.done $0x0  }
0x32: {  	s19 =	sshra.s32 s19, $0x2;
	[sflag:s13] =	ssyncadd.s32 $0xFFFFC000  }
0x33: {  	[tilespmem:s16], [sflag:$0x1] =	stream.indirect.gather [hbm4b:s6+s15], $0x80, s19, s15, $0xb8;
	[tilespmem:$0x19000] =	vst v63  }
0x34: {  	s18 =	sadd.s32 $0x1, s18;
	_ =	swait.ge [sflag:s17], $0x4000  }
0x35: {  	p0 =	sne.s32 s18, $0xA;
	[sflag:s17] =	ssyncset.done $0x0  }
.Ltmp1:
0x36: {  	s19 =	sadd.s32 $0x800, s19;
	[sflag:s17] =	ssyncadd.s32 $0xFFFFC000;
	(pc) =	sbr.rel @p0 .LBB2_2-.Ltmp1, $4  }
0x37: {  	[spmem:s3] =	stream.indirect.scatter.add.f32 [tilespmem:s16], [sflag:$0x2], $0x80, s19, s15, $0xb8;
	[tilespmem:$0x19000] =	vst v63  }
0x38: {  	_ =	swait.ge [sflag:s13], $0x4000  }
0x39: {  	[sflag:s13] =	ssyncset.done $0x0  }
0x3a: {  	[sflag:s13] =	ssyncadd.s32 $0xFFFFC000  }
0x3b: {  	s5 =	sadd.s32 $0x1, s5  }
0x3c: {  	p0 =	sne.s32 s5, s11  }
.Ltmp2:
0x3d: {  	[bflag:$0x0] =	sbarrier.arrive $0xFFFF;
	(pc) =	sbr.rel @p0 .LBB2_1-.Ltmp2, $4  }
0x3e: {  	[hbm:s10], [sflag:s8] =	dma.local [spmem:s12], $0x2800  }
0x3f: {  	_ =	swait.ge [sflag:s13], $0x2800  }
0x40: {  	[sflag:s13] =	ssyncset.done $0x0  }
0x41: {  	[sflag:s13] =	ssyncadd.s32 $0xFFFFD800  }
0x42: {  	_ =	sfence.sel $0x180000  }
0x43: {  	[bflag:$0x0] =	sbarrier.arrive $0xFFFF  }
0x44: {  	p0 =	sne.s32 s4, $0x0;
	_ =	strace $0x9000004D  }
0x45: {  	s0 =	sadd.s32 @!p0 $0x100000, s0;
	[bflag:$0x2] =	sbarrier.arrive $0xFFFF  }
0x46: {  	[sflag:s0] =	ssyncadd.tile.s32 @!p0 $0x1;
	_ =	shalt  }
.Lfunc_end2:
_tile_overlayer_lowered:
.L_overlay_start_2:
0x47: {  	(tag) =	ssettag $0x2  }
0x48: {  	s0 =	rddreg [dreg:$0x0];
	s2 =	stileid.u32  }
0x49: {  	s1 =	rddreg [dreg:$0x1];
	p0 =	sne.s32 s2, $0x0  }
0x4a: {  	s3 =	rddreg [dreg:$0x2];
	[bflag:$0x3] =	sbarrier.arrive $0xFFFF;
	s2 =	simm.s32 @!p0 $0x1C02  }
0x4b: {  	[timem:s3], [sflag:s2] =	dma.local @!p0 [hbm:s0], s1  }
0x4c: {  	s0 =	simm.s32 @!p0 $0x2  }
0x4d: {  	_ =	swait.ge @!p0 [sflag:s0], s1  }
0x4e: {  	s1 =	ssub.s32 @!p0 $0x0, s1;
	[sflag:s0] =	ssyncset.done @!p0 $0x0  }
0x4f: {  	[sflag:s0] =	ssyncadd.s32 @!p0 s1  }
0x50: {  	[bflag:$0x3] =	sbarrier.arrive $0xFFFF  }
0x51: {  	_ =	shalt  }

// kernel: kernel.8.cloned.1.call-start
scs
__scs_entry_jumppad:
0x0: {  	(pc) =	sbr.rel $0x88, $3  }
0x1: {  	(tag) =	ssettag $0x0;
	lr =	simm.s32 $0x1  }
0x2: {  	[smem:$0x3F99] =	sst lr;
	_ =	strace $0xD0000000  }
0x3: {  	_ = 	snop  }
0x4: {  	_ = 	snop  }
0x5: {  	_ = 	snop  }
0x6: {  	_ = 	snop  }
0x7: {  	_ = 	snop  }
__scs_overlays_trampoline_lowered:
0x8: {  	[smem:$0x3FA8] =	sst s0  }
0x9: {  	[smem:$0x3FA9] =	sst s1  }
0xa: {  	[smem:$0x3FAA] =	sst s2  }
0xb: {  	[smem:$0x3FAB] =	sst s3  }
0xc: {  	[smem:$0x3FAC] =	sst s4  }
0xd: {  	[smem:$0x3FAD] =	sst s5  }
0xe: {  	[smem:$0x3FAE] =	sst s6  }
0xf: {  	[smem:$0x3FAF] =	sst s7  }
0x10: {  	[smem:$0x3FB0] =	sst s8  }
0x11: {  	[smem:$0x3FB1] =	sst s9;
	s0 =	simm.s32 @!p0 $0x0  }
0x12: {  	s1 =	sld [smem:$0x3F97];
	s0 =	simm.s32 @p0 $0x1  }
0x13: {  	[smem:$0x3FB2] =	sst s0;
	s0 =	simm.s32 @!p1 $0x0  }
0x14: {  	s2 =	sld [smem:$0x3F96];
	s0 =	simm.s32 @p1 $0x1  }
0x15: {  	[smem:$0x3FB3] =	sst s0;
	s0 =	simm.s32 @!p2 $0x0  }
0x16: {  	s3 =	sld [smem:$0x3FDB];
	s0 =	simm.s32 @p2 $0x1  }
0x17: {  	s4 =	simm.s32 $0x1BF5;
	[smem:$0x3FB5] =	sst s0  }
0x18: {  	s0 =	sld [smem:$0x3F98];
	_ =	swait.ge [sflag:s4], $0x0  }
0x19: {  	s7 =	sld [smem:$0x3F99]  }
0x1a: {  	s8 =	sadd.s32 $0xFFFFE003, lr  }
0x1b: {  	s9 =	sadd.s32 $0xFFFFFEF7, lr;
	s5 =	simm.s32 $0xFFFFFFFF;
	p2 =	slt.u32 s8, $0xFFFFF086  }
0x1c: {  	p1 =	slt.u32 s9, $0xF7A;
	s5 =	simm.s32 @!p2 $0x0  }
0x1d: {  	s5 =	simm.s32 @p1 $0x1;
	p0 =	seq.s32 s7, s2  }
0x1e: {  	s7 =	smul.u32 @!p0 $0xF7A, s2;
	p2 =	seq.s32 @!p0 s5, $0x0  }
0x1f: {  	s9 =	smul.u32 $0xF7A, s1;
	s8 =	simm.s32 @!p0 $0x1BF5;
	p2 =	por !p2, p0  }
0x20: {  	[sflag:s8] =	ssyncset.s32 @!p0 $0xFFFFF086;
	s6 =	sadd.s32 @!p0 s3, s7;
	s7 =	simm.s32 @!p0 $0x108  }
0x21: {  	s3 =	sadd.s32 s3, s9;
	s6 =	sadd.s32 @!p0 $0x88, s6;
	s7 =	simm.s32 @p2 $0x1082  }
0x22: {  	[simem:s7], [sflag:s8] =	dma.local @!p0 [hbm:s6], $0xF7A  }
0x23: {  	s9 =	sor.u32 $0xD0000000, s2;
	s6 =	simm.s32 $0x108;
	_ =	swait.ge @!p0 [sflag:s8], $0x0  }
0x24: {  	s3 =	sadd.s32 $0x88, s3;
	s6 =	simm.s32 @!p1 $0x1082;
	[sflag:s4] =	ssyncset.s32 $0xFFFFF086  }
0x25: {  	[simem:s6], [sflag:s4] =	dma.local [hbm:s3], $0xF7A  }
0x26: {  	[smem:$0x3F99] =	sst s1;
	(tag) =	ssettag s2;
	_ =	strace s9  }
0x27: {  	s1 =	sld [smem:$0x3FA9]  }
0x28: {  	s2 =	sld [smem:$0x3FAA]  }
0x29: {  	s4 =	sld [smem:$0x3FAC]  }
0x2a: {  	p0 =	seq.s32 s5, $0x0;
	s5 =	sld [smem:$0x3FAD]  }
0x2b: {  	s6 =	sld [smem:$0x3FAE]  }
0x2c: {  	s7 =	sld [smem:$0x3FAF]  }
0x2d: {  	s3 =	simm.s32 $0x108;
	s8 =	sld [smem:$0x3FB0]  }
0x2e: {  	s3 =	simm.s32 @!p0 $0x1082;
	s9 =	sld [smem:$0x3FB1]  }
0x2f: {  	lr =	sadd.s32 s0, s3;
	s0 =	sld [smem:$0x3FA8]  }
0x30: {  	s3 =	sld [smem:$0x3FAB]  }
0x31: {  	[smem:$0x3FB4] =	sst s10  }
0x32: {  	s10 =	sld [smem:$0x3FB2];
	_ =	sdelay $0x3  }
0x33: {  	p0 =	seq.s32 s10, $0x1;
	s10 =	sld [smem:$0x3FB4];
	_ =	sdelay $0x3  }
0x34: {  	[smem:$0x3FB4] =	sst s10  }
0x35: {  	s10 =	sld [smem:$0x3FB3];
	_ =	sdelay $0x3  }
0x36: {  	p1 =	seq.s32 s10, $0x1;
	s10 =	sld [smem:$0x3FB4];
	_ =	sdelay $0x3  }
0x37: {  	[smem:$0x3FB4] =	sst s10  }
0x38: {  	s10 =	sld [smem:$0x3FB5]  }
0x39: {  	_ = 	snop;
	(pc) =	sbr.ind lr, $3  }
0x3a: {  	_ = 	snop  }
0x3b: {  	_ = 	snop  }
0x3c: {  	p2 =	seq.s32 s10, $0x1;
	s10 =	sld [smem:$0x3FB4]  }
0x3d: {  	_ =	shalt  }
0x3e: {  	_ =	shalt  }
0x3f: {  	_ =	shalt  }
0x40: {  	_ =	shalt  }
0x41: {  	_ =	shalt  }
0x42: {  	_ =	shalt  }
0x43: {  	_ =	shalt  }
0x44: {  	_ =	shalt  }
0x45: {  	_ =	shalt  }
0x46: {  	_ =	shalt  }
0x47: {  	_ =	shalt  }
0x48: {  	_ =	shalt  }
0x49: {  	_ =	shalt  }
0x4a: {  	_ =	shalt  }
0x4b: {  	_ =	shalt  }
0x4c: {  	_ =	shalt  }
0x4d: {  	_ =	shalt  }
0x4e: {  	_ =	shalt  }
0x4f: {  	_ =	shalt  }
0x50: {  	_ =	shalt  }
0x51: {  	_ =	shalt  }
0x52: {  	_ =	shalt  }
0x53: {  	_ =	shalt  }
0x54: {  	_ =	shalt  }
0x55: {  	_ =	shalt  }
0x56: {  	_ =	shalt  }
0x57: {  	_ =	shalt  }
0x58: {  	_ =	shalt  }
0x59: {  	_ =	shalt  }
0x5a: {  	_ =	shalt  }
0x5b: {  	_ =	shalt  }
0x5c: {  	_ =	shalt  }
0x5d: {  	_ =	shalt  }
0x5e: {  	_ =	shalt  }
0x5f: {  	_ =	shalt  }
0x60: {  	_ =	shalt  }
0x61: {  	_ =	shalt  }
0x62: {  	_ =	shalt  }
0x63: {  	_ =	shalt  }
0x64: {  	_ =	shalt  }
0x65: {  	_ =	shalt  }
0x66: {  	_ =	shalt  }
0x67: {  	_ =	shalt  }
0x68: {  	_ =	shalt  }
0x69: {  	_ =	shalt  }
0x6a: {  	_ =	shalt  }
0x6b: {  	_ =	shalt  }
0x6c: {  	_ =	shalt  }
0x6d: {  	_ =	shalt  }
0x6e: {  	_ =	shalt  }
0x6f: {  	_ =	shalt  }
0x70: {  	_ =	shalt  }
0x71: {  	_ =	shalt  }
0x72: {  	_ =	shalt  }
0x73: {  	_ =	shalt  }
0x74: {  	_ =	shalt  }
0x75: {  	_ =	shalt  }
0x76: {  	_ =	shalt  }
0x77: {  	_ =	shalt  }
0x78: {  	_ =	shalt  }
0x79: {  	_ =	shalt  }
0x7a: {  	_ =	shalt  }
0x7b: {  	_ =	shalt  }
0x7c: {  	_ =	shalt  }
0x7d: {  	_ =	shalt  }
0x7e: {  	_ =	shalt  }
0x7f: {  	_ =	shalt  }
0x80: {  	_ =	shalt  }
0x81: {  	_ =	shalt  }
0x82: {  	_ =	shalt  }
0x83: {  	_ =	shalt  }
0x84: {  	_ =	shalt  }
0x85: {  	_ =	shalt  }
0x86: {  	_ =	shalt  }
0x87: {  	_ =	shalt  }
.Lfunc_end0:
.L_simem_size_0:
called_computation_lowered:
.L_overlay_start_0:
0x88: {  	s2 =	sld [smem:$0x3FD9]  }
0x89: {  	s3 =	sld [smem:$0x3FFE];
	_ =	sdelay $0x1  }
0x8a: {  	s1 =	srdreg.scid  }
0x8b: {  	s0 =	sand.u32 $0x1, s1  }
0x8c: {  	s15 =	sshll.u32 s0, $0xA;
	s2 =	sadd.s32 s3, s2  }
0x8d: {  	s2 =	sadd.s32 s2, s15  }
0x8e: {  	[smem:$0x3FC0] =	sst s2  }
0x8f: {  	_ = 	snop  }
0x90: {  	s2 =	sld [smem:$0x3FD0];
	_ =	sdelay $0x2  }
0x91: {  	s16 =	simm.s32 $0xA;
	s4 =	simm.s32 $0x10  }
0x92: {  	[smem:s4], [sflag:s16] =	dma.local [hbm:s2], $0x1  }
0x93: {  	_ =	swait.eq [sflag:s16], $0x1  }
0x94: {  	[sflag:s16] =	ssyncset.done $0x0  }
0x95: {  	s17 =	sld [smem:$0x10];
	[sflag:s16] =	ssyncadd.s32 $0xFFFFFFFF  }
0x96: {  	s18 =	sld [smem:$0x11];
	(tm) =	ssettm $0x1  }
0x97: {  	s19 =	sld [smem:$0x3FFB];
	_ =	sdelay $0x3  }
0x98: {  	_ =	strace s19  }
0x99: {  	s4 =	sld [smem:$0x3FFC];
	_ =	sdelay $0x3  }
0x9a: {  	_ =	strace s4  }
0x9b: {  	s4 =	sld [smem:$0x3FFD];
	_ =	sdelay $0x3  }
0x9c: {  	_ =	strace s4  }
0x9d: {  	_ =	strace $0x8FFFFFFF  }
0x9e: {  	s20 =	sld [smem:$0x3FDB];
	_ =	sdelay $0x1  }
0x9f: {  	s5 =	simm.s32 $_scs_section_size  }
0xa0: {  	s6 =	simm.s32 $_size__tile_overlayer_lowered;
	s7 =	simm.s32 $_tile_overlayer_lowered  }
0xa1: {  	s23 =	simm.s32 $0x1BFF;
	s22 =	sshll.u32 s7, $0x1;
	s4 =	sadd.s32 s5, s20  }
0xa2: {  	s8 =	simm.s32 $0x0;
	s21 =	sshll.u32 s6, $0x1;
	s6 =	sadd.s32 s22, s4  }
0xa3: {  	[timem:s8], [sflag:s23] =	dma.local [hbm:s6], s21  }
0xa4: {  	_ =	swait.ge [sflag:s23], s21  }
0xa5: {  	s5 =	ssub.s32 $0x0, s21;
	[sflag:s23] =	ssyncset.done $0x0  }
0xa6: {  	[sflag:s23] =	ssyncadd.s32 s5;
	_ =	sdelay $0x1  }
0xa7: {  	s24 =	simm.s32 $0x1B8B  }
0xa8: {  	_ =	swait.ge [sflag:s24], $0x1  }
0xa9: {  	[sflag:s24] =	ssyncset.done $0x0  }
0xaa: {  	s25 =	simm.s32 $0x1B8E;
	[sflag:s24] =	ssyncadd.s32 $0xFFFFFFFF  }
0xab: {  	s26 =	simm.s32 $execute0_lowered;
	[smem:$0x3FD2] =	sst s25  }
0xac: {  	s5 =	sshll.u32 s26, $0x1;
	_ =	strace $0x80000046;
	[dreg:$0x1] =	wrdreg $0xFFFFFFFF  }
0xad: {  	s28 =	simm.s32 $_size_execute0_lowered;
	s4 =	sadd.s32 s4, s5;
	[dreg:$0x0] =	wrdreg $0x0  }
0xae: {  	s5 =	sshll.u32 s28, $0x1;
	[dreg:$0x2] =	wrdreg s4  }
0xaf: {  	[dreg:$0x3] =	wrdreg s5  }
0xb0: {  	[dreg:$0x4] =	wrdreg $0xC0  }
0xb1: {  	_ =	task [dreg:s8], $0x5FFFF  }
0xb2: {  	[dreg:$0x1] =	wrdreg $0xFFFFFFFF  }
0xb3: {  	[dreg:$0x0] =	wrdreg $0x60  }
0xb4: {  	[dreg:$0x2] =	wrdreg s18  }
0xb5: {  	[dreg:$0x3] =	wrdreg s17  }
0xb6: {  	[dreg:$0x4] =	wrdreg $0x2B000  }
0xb7: {  	[dreg:$0x5] =	wrdreg $0x9  }
0xb8: {  	_ =	task.clear_ibuf [dreg:s8], $0x6FFFF;
	_ =	strace $0x90000046  }
0xb9: {  	s29 =	simm.s32 $0x9;
	_ =	strace $0x80000048  }
0xba: {  	_ =	swait.ge [sflag:s29], $0x1  }
0xbb: {  	[sflag:s29] =	ssyncadd.s32 $0xFFFFFFFF  }
0xbc: {  	_ =	strace $0x90000048  }
0xbd: {  	_ =	sfence  }
0xbe: {  	s30 =	sld [smem:$0x0];
	_ =	sdelay $0x2  }
0xbf: {  	s31 =	sshll.u32 s1, $0xD;
	s1 =	sshrl.u32 s1, $0x2  }
0xc0: {  	s3 =	sand.u32 $0x4000, s31;
	s1 =	sadd.s32 s1, s30  }
0xc1: {  	s0 =	sor.u32 s3, s0;
	s1 =	sshll.u32 s1, $0x11  }
0xc2: {  	s0 =	sor.u32 s1, s0  }
0xc3: {  	s0 =	sadd.s32 $0x8F2B, s0  }
0xc4: {  	[sflag:s0] =	ssyncadd.remote.s32 $0x1  }
0xc5: {  	_ =	sfence.sel $0xFFFF  }
0xc6: {  	[dreg:$0x0] =	wrdreg $0xFFFFFFFF;
	(pc) =	sbr.abs _section_cstart, $3  }
0xc7: {  	[dreg:$0x1] =	wrdreg $0xFFFFFFFF  }
0xc8: {  	_ =	task.clear_ibuf [dreg:s8], $0x2FFFF;
	_ =	strace $0x9FFFFFFF  }
0xc9: {  	(tm) =	ssettm $0x7FFFFFFF  }
tec
execute0_lowered:
.L_overlay_start_1:
0x0: {  	(tag) =	ssettag $0x1  }
0x1: {  	s5 =	rddreg [dreg:$0x0]  }
0x2: {  	s6 =	rddreg [dreg:$0x1]  }
0x3: {  	s1 =	rddreg [dreg:$0x2]  }
0x4: {  	s0 =	rddreg [dreg:$0x3];
	s3 =	simm.s32 $0x0;
	s4 =	srdreg.scid  }
0x5: {  	s2 =	stileid.u32;
	s14 =	simm.s32 $0x20;
	s15 =	simm.s32 $0x10  }
0x6: {  	s16 =	simm.s32 $0x0;
	[smem:$0x7FF] =	sst s3;
	s7 =	smul.u32 $0xA00, s2  }
0x7: {  	s4 =	sand.u32 $0x1, s4;
	s10 =	smul.u32 $0x500, s2;
	s12 =	sshll.u32 s2, $0x6  }
0x8: {  	_ =	strace $0x80000047;
	s8 =	sshll.u32 s4, $0x4;
	s9 =	ssub.s32 $0x2, s4  }
0x9: {  	s4 =	sshll.u32 s4, $0x7;
	s12 =	sor.u32 $0x1C01, s12;
	s8 =	sor.u32 s2, s8  }
0xa: {  	s11 =	sshrl.u32 s9, $0x1;
	s7 =	sshrl.u32 s7, $0x2;
	s10 =	sor.u32 s4, s10  }
0xb: {  	s8 =	smul.u32 $0x500, s8;
	s9 =	ssub.s32 s9, s11;
	s4 =	sadd.s32 s7, s1  }
0xc: {  	s31 =	sshrl.u32 s10, $0x3;
	s10 =	simm.s32 $0x80;
	s11 =	simm.s32 $0x2A80  }
0xd: {  	s6 =	sadd.s32 s6, s31;
	s7 =	smax.u32 s9, $0x1;
	s9 =	simm.s32 $0x1  }
0xe: {  	v0 =	vimm.f32 $1.000000000e+00;
	v1 =	vimm.f32 $0.0e+00;
	s13 =	sshrl.u32 s4, $0x3;
	s5 =	sadd.s32 s5, s8;
	s8 =	simm.s32 $0x2800  }
.LBB2_1:
0xf: {  	[tilespmem:$0x2A80] =	vst v0  }
0x10: {  	[tilespmem:$0x2A90] =	vst v0  }
0x11: {  	[tilespmem:$0x2AA0] =	vst v0  }
0x12: {  	[tilespmem:$0x2AB0] =	vst v0  }
0x13: {  	[tilespmem:$0x2AC0] =	vst v0  }
0x14: {  	[tilespmem:$0x2AD0] =	vst v0  }
0x15: {  	[tilespmem:$0x2AE0] =	vst v0  }
0x16: {  	[tilespmem:$0x2AF0] =	vst v0  }
0x17: {  	[tilespmem:$0x2800] =	vst v1  }
0x18: {  	[tilespmem:$0x2810] =	vst v1  }
0x19: {  	[tilespmem:$0x2820] =	vst v1  }
0x1a: {  	[tilespmem:$0x2830] =	vst v1  }
0x1b: {  	[tilespmem:$0x2840] =	vst v1  }
0x1c: {  	[tilespmem:$0x2850] =	vst v1  }
0x1d: {  	[tilespmem:$0x2860] =	vst v1  }
0x1e: {  	[tilespmem:$0x2870] =	vst v1  }
0x1f: {  	[tilespmem:$0x2880] =	vst v1  }
0x20: {  	[tilespmem:$0x2890] =	vst v1  }
0x21: {  	[tilespmem:$0x28A0] =	vst v1  }
0x22: {  	[tilespmem:$0x28B0] =	vst v1  }
0x23: {  	[tilespmem:$0x28C0] =	vst v1  }
0x24: {  	[tilespmem:$0x28D0] =	vst v1  }
0x25: {  	[tilespmem:$0x28E0] =	vst v1  }
0x26: {  	[tilespmem:$0x28F0] =	vst v1  }
0x27: {  	[tilespmem:$0x2900] =	vst v1  }
0x28: {  	[tilespmem:$0x2910] =	vst v1  }
0x29: {  	[tilespmem:$0x2920] =	vst v1  }
0x2a: {  	[tilespmem:$0x2930] =	vst v1  }
0x2b: {  	[tilespmem:$0x2940] =	vst v1  }
0x2c: {  	[tilespmem:$0x2950] =	vst v1  }
0x2d: {  	[tilespmem:$0x2960] =	vst v1  }
0x2e: {  	[tilespmem:$0x2970] =	vst v1  }
0x2f: {  	[tilespmem:$0x2980] =	vst v1  }
0x30: {  	[tilespmem:$0x2990] =	vst v1  }
0x31: {  	[tilespmem:$0x29A0] =	vst v1  }
0x32: {  	[tilespmem:$0x29B0] =	vst v1  }
0x33: {  	[tilespmem:$0x29C0] =	vst v1  }
0x34: {  	[tilespmem:$0x29D0] =	vst v1  }
0x35: {  	[tilespmem:$0x29E0] =	vst v1  }
0x36: {  	[tilespmem:$0x29F0] =	vst v1  }
0x37: {  	[tilespmem:$0x2A00] =	vst v1  }
0x38: {  	[tilespmem:$0x2A10] =	vst v1  }
0x39: {  	[tilespmem:$0x2A20] =	vst v1  }
0x3a: {  	[tilespmem:$0x2A30] =	vst v1  }
0x3b: {  	[tilespmem:$0x2A40] =	vst v1  }
0x3c: {  	[tilespmem:$0x2A50] =	vst v1  }
0x3d: {  	[tilespmem:$0x2A60] =	vst v1  }
0x3e: {  	[tilespmem:$0x2A70] =	vst v1  }
0x3f: {  	[spmem:s4] =	stream.linear.scatter [tilespmem:s8], [sflag:$0x1], $0x280, $0x38;
	[tilespmem:$0x2D80] =	vst v63  }
0x40: {  	_ =	swait.ge [sflag:s9], $0x280  }
0x41: {  	[sflag:s9] =	ssyncset.done $0x0  }
0x42: {  	[sflag:s9] =	ssyncadd.s32 $0xFFFFFD80  }
0x43: {  	[bflag:$0x0] =	sbarrier.arrive $0xFFFF  }
0x44: {  	[tilespmem:s3], [sflag:$0x1] =	stream.linear.gather [hbm4b:s5+s3], $0x2800, $0x38;
	[tilespmem:$0x2D80] =	vst v63  }
0x45: {  	_ =	swait.ge [sflag:s9], $0x2800  }
0x46: {  	[sflag:s9] =	ssyncset.done $0x0  }
0x47: {  	s17 =	simm.s32 $0x0;
	[sflag:s9] =	ssyncadd.s32 $0xFFFFD800  }
0x48: {  	[spmem:s1] =	stream.indirect.scatter.add.f32 [tilespmem:s11], [sflag:$0x1], $0x1, s17, s10, $0xb8;
	[tilespmem:$0x2D80] =	vst v63  }
0x49: {  	_ =	swait.ge [sflag:s9], $0x80  }
0x4a: {  	s17 =	simm.s32 $0x200;
	[sflag:s9] =	ssyncset.done $0x0  }
.LBB2_2:
0x4b: {  	s18 =	sshra.s32 s17, $0x2;
	[sflag:s9] =	ssyncadd.s32 $0xFFFFFF80;
	p0 =	sne.s32 s17, $0x9E00  }
0x4c: {  	[spmem:s1] =	stream.indirect.scatter.add.f32 [tilespmem:s11], [sflag:$0x1], $0x1, s18, s10, $0xb8;
	[tilespmem:$0x2D80] =	vst v63  }
.Ltmp0:
0x4d: {  	_ = 	snop;
	(pc) =	sbr.rel @p0 .LBB2_2-.Ltmp0, $4  }
0x4e: {  	_ = 	snop  }
0x4f: {  	s17 =	sadd.s32 $0x200, s17  }
0x50: {  	_ =	swait.ge [sflag:s9], $0x80  }
0x51: {  	[sflag:s9] =	ssyncset.done $0x0  }
0x52: {  	s16 =	sadd.s32 $0x1, s16  }
0x53: {  	[sflag:s9] =	ssyncadd.s32 $0xFFFFFF80;
	p0 =	sne.s32 s16, s7  }
.Ltmp1:
0x54: {  	[bflag:$0x0] =	sbarrier.arrive $0xFFFF;
	(pc) =	sbr.rel @p0 .LBB2_1-.Ltmp1, $4  }
0x55: {  	[hbm:s6@s14], [sflag:s12] =	dma.strided [spmem:s13@s15], $0x50, s9, $0x10   }
0x56: {  	_ =	swait.ge [sflag:s9], $0x50  }
0x57: {  	[sflag:s9] =	ssyncset.done $0x0  }
0x58: {  	[sflag:s9] =	ssyncadd.s32 $0xFFFFFFB0  }
0x59: {  	_ =	sfence.sel $0x180000  }
0x5a: {  	[bflag:$0x0] =	sbarrier.arrive $0xFFFF  }
0x5b: {  	p0 =	sne.s32 s2, $0x0;
	_ =	strace $0x90000047  }
0x5c: {  	s0 =	sadd.s32 @!p0 $0x100000, s0;
	[bflag:$0x2] =	sbarrier.arrive $0xFFFF  }
0x5d: {  	[sflag:s0] =	ssyncadd.tile.s32 @!p0 $0x1;
	_ =	shalt  }
.Lfunc_end2:
_tile_overlayer_lowered:
.L_overlay_start_2:
0x5e: {  	(tag) =	ssettag $0x2  }
0x5f: {  	s0 =	rddreg [dreg:$0x0];
	s2 =	stileid.u32  }
0x60: {  	s1 =	rddreg [dreg:$0x1];
	p0 =	sne.s32 s2, $0x0  }
0x61: {  	s3 =	rddreg [dreg:$0x2];
	[bflag:$0x3] =	sbarrier.arrive $0xFFFF;
	s2 =	simm.s32 @!p0 $0x1C01  }
0x62: {  	[timem:s3], [sflag:s2] =	dma.local @!p0 [hbm:s0], s1  }
0x63: {  	s0 =	simm.s32 @!p0 $0x1  }
0x64: {  	_ =	swait.ge @!p0 [sflag:s0], s1  }
0x65: {  	s1 =	ssub.s32 @!p0 $0x0, s1;
	[sflag:s0] =	ssyncset.done @!p0 $0x0  }
0x66: {  	[sflag:s0] =	ssyncadd.s32 @!p0 s1  }
0x67: {  	[bflag:$0x3] =	sbarrier.arrive $0xFFFF  }
0x68: {  	_ =	shalt  }

</sc_bundles>
